<compile_context>
chip_gen: v7x
topology: tpu7x:2x2x1
jax: 0.10.2.dev20260603
libtpu: 0.0.44.dev20260713+nightly
codegen_flags: <defaults>
</compile_context>

<pallas_src>
import functools

import jax
import jax.numpy as jnp
from jax import lax
from jax.experimental import pallas as pl
from jax.experimental.pallas import tpu as pltpu
from jax.experimental.pallas import tpu_sc as plsc

_N = 10000
_E = 320000
_H0, _D1 = 4, 32
_D2 = 16
_SLOPE = 0.2
_BLK = 2000

_C = 80
_NCHUNK = _E // _C
_NW = 32
_CPT = _NCHUNK // _NW
_ROWS_PT = 1000



def _dense_a_body(f0, f1, W0p, W1p, bp, fcWp, ALR, resWp,
                  feat_o, lr_o, res_o):
    h = jnp.maximum(
        jnp.dot(f0[...], W0p[...], preferred_element_type=jnp.float32)
        + jnp.dot(f1[...], W1p[...], preferred_element_type=jnp.float32)
        + bp[0:1, :], 0.0)
    feat = jnp.dot(h, fcWp[...], preferred_element_type=jnp.float32)
    feat_o[...] = feat
    lr_o[...] = jnp.dot(feat, ALR[...], preferred_element_type=jnp.float32)
    res_o[...] = jnp.dot(h, resWp[...], preferred_element_type=jnp.float32)


def _dense_c_body(Ud, res0, fcW1p, ALR1, resW1p, S4p,
                  feat1_o, lr1_o, res1_o):
    u = Ud[0]
    dn = Ud[1, :, 0:4]
    rec = 1.0 / jnp.maximum(dn, 1e-9)
    rep = jnp.dot(rec, S4p[...], preferred_element_type=jnp.float32)
    h1 = jnp.maximum(u * rep + res0[...], 0.0)
    feat1 = jnp.dot(h1, fcW1p[...], preferred_element_type=jnp.float32)
    feat1_o[...] = feat1
    lr1_o[...] = jnp.dot(feat1, ALR1[...], preferred_element_type=jnp.float32)
    res1_o[...] = jnp.dot(h1, resW1p[...], preferred_element_type=jnp.float32)


def _dense_e_body(Ud1, res1, fcW1T, fcW0T, M, dW0, db0, dW1, db1,
                  rec0_o, rec1_o):
    u = Ud1[0, :, 0:16]
    dn = Ud1[1, :, 0:1]
    rec = 1.0 / jnp.maximum(dn, 1e-9)
    h2 = u * rec + res1[...]
    d = jnp.maximum(h2, 0.0)
    d = jnp.maximum(jnp.dot(d, fcW1T[...], preferred_element_type=jnp.float32), 0.0)
    d = jnp.maximum(jnp.dot(d, fcW0T[...], preferred_element_type=jnp.float32), 0.0)
    dm = jnp.dot(d, M[...], preferred_element_type=jnp.float32)
    z0 = jnp.dot(dm, dW0[...], preferred_element_type=jnp.float32) + db0[0:1, :]
    z1 = jnp.dot(dm, dW1[...], preferred_element_type=jnp.float32) + db1[0:1, :]
    rec0_o[...] = 1.0 / (1.0 + jnp.exp(-z0))
    rec1_o[...] = 1.0 / (1.0 + jnp.exp(-z1))


def _row_spec(c):
    return pl.BlockSpec((_BLK, c), lambda i: (i, 0))


def _full_spec(*shape):
    nd = len(shape)
    return pl.BlockSpec(shape, lambda i: (0,) * nd)


def _stack_spec(c):
    return pl.BlockSpec((2, _BLK, c), lambda i: (0, i, 0))


_GRID = _N // _BLK


def _dense_a(f0, f1, W0p, W1p, bp, fcWp, ALR, resWp):
    return pl.pallas_call(
        _dense_a_body,
        grid=(_GRID,),
        in_specs=[_row_spec(128), _row_spec(128), _full_spec(128, 128),
                  _full_spec(128, 128), _full_spec(8, 128), _full_spec(128, 128),
                  _full_spec(128, 128), _full_spec(128, 128)],
        out_specs=[_row_spec(128), _row_spec(128), _row_spec(128)],
        out_shape=[jax.ShapeDtypeStruct((_N, 128), jnp.float32),
                   jax.ShapeDtypeStruct((_N, 128), jnp.float32),
                   jax.ShapeDtypeStruct((_N, 128), jnp.float32)],
    )(f0, f1, W0p, W1p, bp, fcWp, ALR, resWp)


def _dense_c(Ud, res0, fcW1p, ALR1, resW1p, S4p):
    return pl.pallas_call(
        _dense_c_body,
        grid=(_GRID,),
        in_specs=[_stack_spec(128), _row_spec(128),
                  _full_spec(128, 128), _full_spec(128, 128),
                  _full_spec(128, 16), _full_spec(4, 128)],
        out_specs=[_row_spec(128), _row_spec(128), _row_spec(16)],
        out_shape=[jax.ShapeDtypeStruct((_N, 128), jnp.float32),
                   jax.ShapeDtypeStruct((_N, 128), jnp.float32),
                   jax.ShapeDtypeStruct((_N, 16), jnp.float32)],
    )(Ud, res0, fcW1p, ALR1, resW1p, S4p)


def _dense_e(Ud1, res1, fcW1T, fcW0T, M, dW0, db0, dW1, db1):
    return pl.pallas_call(
        _dense_e_body,
        grid=(_GRID,),
        in_specs=[_stack_spec(128), _row_spec(16),
                  _full_spec(16, 128), _full_spec(128, 128), _full_spec(128, 32),
                  _full_spec(32, 128), _full_spec(8, 128),
                  _full_spec(32, 128), _full_spec(8, 128)],
        out_specs=[_row_spec(128), _row_spec(128)],
        out_shape=[jax.ShapeDtypeStruct((_N, 128), jnp.float32),
                   jax.ShapeDtypeStruct((_N, 128), jnp.float32)],
    )(Ud1, res1, fcW1T, fcW0T, M, dW0, db0, dW1, db1)



def _edge_sc(src, dst, lr, feat, dcol):
    nsl = dcol // 16
    ept = _E // 16
    cpt = ept // _C

    mesh = plsc.VectorSubcoreMesh(core_axis_name="c", subcore_axis_name="s")

    @functools.partial(
        pl.kernel,
        mesh=mesh,
        out_type=jax.ShapeDtypeStruct((2, _N, 128), jnp.float32),
        scratch_types=[
            pltpu.VMEM((_C,), jnp.int32),
            pltpu.VMEM((_C,), jnp.int32),
            pltpu.VMEM((_C, 128), jnp.float32),
            pltpu.VMEM((_C, 128), jnp.float32),
            pltpu.VMEM((_C, 128), jnp.float32),
            pltpu.VMEM((_C, 128), jnp.float32),
            pltpu.VMEM_SHARED((_N, 128), jnp.float32),
            pltpu.SemaphoreType.DMA,
            pltpu.SemaphoreType.DMA,
            pltpu.SemaphoreType.DMA,
        ],
    )
    def k(src_h, dst_h, lr_h, feat_h, Ud_h,
          src_v, dst_v, elg, erg, fg, fge, acc_s, sem1, sem2, sem3):
        cid = lax.axis_index("c")
        sid = lax.axis_index("s")
        zero16 = jnp.zeros((16,), jnp.float32)

        def _zf(c, _):
            for kk in range(8):
                fge[c, pl.ds(kk * 16, 16)] = zero16
            return 0
        lax.fori_loop(0, _C, _zf, 0)

        @pl.when(sid < 10)
        def _zero_spmem():
            def _zs(q, _):
                b = sid * _ROWS_PT + q * _C
                pltpu.sync_copy(fge.at[pl.ds(0, _C)], acc_s.at[pl.ds(b, _C)])
                return 0
            lax.fori_loop(0, _ROWS_PT // _C, _zs, 0)
            rem = _ROWS_PT - (_ROWS_PT // _C) * _C
            base2 = sid * _ROWS_PT + (_ROWS_PT // _C) * _C
            pltpu.sync_copy(fge.at[pl.ds(0, rem)], acc_s.at[pl.ds(base2, rem)])

        plsc.subcore_barrier()

        def body(j, _):
            off = sid * ept + j * _C
            pltpu.sync_copy(src_h.at[pl.ds(off, _C)], src_v)
            pltpu.sync_copy(dst_h.at[pl.ds(off, _C)], dst_v)
            ga = pltpu.async_copy(lr_h.at[src_v], elg, sem1)
            gb = pltpu.async_copy(lr_h.at[dst_v], erg, sem2)

            @pl.when(cid == 0)
            def _urole():
                gf = pltpu.async_copy(feat_h.at[src_v], fg, sem3)
                ga.wait()
                gb.wait()
                gf.wait()

                def mrow(c, _):
                    x = elg[c, pl.ds(0, 16)] + erg[c, pl.ds(16, 16)]
                    s = jnp.exp(jnp.maximum(x, _SLOPE * x))
                    for kk in range(nsl):
                        fge[c, pl.ds(kk * 16, 16)] = fg[c, pl.ds(kk * 16, 16)] * s
                    return 0
                lax.fori_loop(0, _C, mrow, 0)

            @pl.when(cid == 1)
            def _denrole():
                ga.wait()
                gb.wait()

                def mrow(c, _):
                    x = elg[c, pl.ds(0, 16)] + erg[c, pl.ds(16, 16)]
                    s = jnp.exp(jnp.maximum(x, _SLOPE * x))
                    fge[c, pl.ds(0, 16)] = s
                    return 0
                lax.fori_loop(0, _C, mrow, 0)

            pltpu.sync_copy(fge, acc_s.at[dst_v], add=True)
            return 0

        lax.fori_loop(0, cpt, body, 0)

        plsc.subcore_barrier()

        @pl.when(sid < 10)
        def _writeout():
            base = sid * _ROWS_PT
            pltpu.sync_copy(acc_s.at[pl.ds(base, _ROWS_PT)],
                            Ud_h.at[cid, pl.ds(base, _ROWS_PT)])

    return k(src, dst, lr, feat)



def kernel(feat0, feat1, edge_index, emb_W0, emb_b0, emb_W1, emb_b1,
           fc_W0, attn_l0, attn_r0, res_W0, fc_W1, attn_l1, attn_r1, res_W1,
           dec_W0, dec_b0, dec_W1, dec_b1):
    src = edge_index[0]
    dst = edge_index[1]

    c128 = jnp.arange(128)
    perm = (c128 % _H0) * _D1 + c128 // _H0
    W0p = jnp.zeros((128, 128), jnp.float32).at[:, :64].set(emb_W0)
    W1p = jnp.zeros((128, 128), jnp.float32).at[:, 64:].set(emb_W1)
    bp = jnp.tile(jnp.concatenate([emb_b0, emb_b1])[None, :], (8, 1))
    fcWp = fc_W0[:, perm]
    resWp = res_W0[:, perm]
    fcW1p = jnp.zeros((128, 128), jnp.float32).at[:, 0:16].set(fc_W1[perm, :])
    resW1p = res_W1[perm, :]
    r128 = jnp.arange(128)
    g = r128 % _H0
    jj = r128 // _H0
    c16 = jnp.arange(16)
    alf = jnp.where((g[:, None] == (c16 % _H0)[None, :]),
                    attn_l0[g, jj][:, None], 0.0)
    arf = jnp.where((g[:, None] == (c16 % _H0)[None, :]),
                    attn_r0[g, jj][:, None], 0.0)
    ALR = jnp.zeros((128, 128), jnp.float32)
    ALR = ALR.at[:, 0:16].set(alf).at[:, 16:32].set(arf)
    al1f = jnp.tile(attn_l1.reshape(_D2, 1), (1, 16))
    ar1f = jnp.tile(attn_r1.reshape(_D2, 1), (1, 16))
    ALR1 = jnp.zeros((128, 128), jnp.float32)
    ALR1 = ALR1.at[0:16, 0:16].set(al1f).at[0:16, 16:32].set(ar1f)
    S4p = jnp.where(jnp.arange(4)[:, None] == (c128 % _H0)[None, :], 1.0, 0.0)
    M = jnp.where((jnp.arange(128) % _D1)[:, None] == jnp.arange(_D1)[None, :],
                  0.25, 0.0)

    feat_p, lr0, res0 = _dense_a(feat0, feat1, W0p, W1p, bp,
                                 fcWp, ALR, resWp)

    Ud0 = _edge_sc(src, dst, lr0, feat_p, 128)

    feat1_, lr1, res1 = _dense_c(Ud0, res0, fcW1p, ALR1, resW1p, S4p)

    Ud1 = _edge_sc(src, dst, lr1, feat1_, _D2)

    rec0, rec1 = _dense_e(Ud1, res1, fc_W1.T, fc_W0.T, M,
                          dec_W0, jnp.tile(dec_b0[None, :], (8, 1)),
                          dec_W1, jnp.tile(dec_b1[None, :], (8, 1)))
    return (rec0, rec1)

# --- scband reference (transcript-rebuilt; emitter-appended) ---
"""Pipeline reference for scband-cancer-gate-36258113912901 (READ-ONLY COPY).

The authoritative reference and input builder live on the scoring server;
editing this copy changes nothing except your own understanding.
"""

import jax, jax.numpy as jnp
import numpy as np

N = 10000
E = 320000
D_IN = 128
D0, D1, D2 = 64, 32, 16
H0, H1 = 4, 1
SLOPE = 0.2


def setup_inputs(seed: int = 0) -> dict:
    key = jax.random.key(seed)
    ks = jax.random.split(key, 20)
    inp = {}
    inp['feat0'] = jax.random.normal(ks[0], (N, D_IN), dtype=jnp.float32)
    inp['feat1'] = jax.random.normal(ks[1], (N, D_IN), dtype=jnp.float32)
    inp['edge_index'] = jax.random.randint(ks[2], (2, E), 0, N, dtype=jnp.int32)
    # per-feature embedding Dense layers: in_dims[i] -> dim_hiddens[0]
    inp['emb_W0'] = jax.random.normal(ks[3], (D_IN, D0), dtype=jnp.float32) * 0.05
    inp['emb_b0'] = jnp.zeros((D0,), dtype=jnp.float32)
    inp['emb_W1'] = jax.random.normal(ks[4], (D_IN, D0), dtype=jnp.float32) * 0.05
    inp['emb_b1'] = jnp.zeros((D0,), dtype=jnp.float32)
    # GAT layer 0: in = D0*2 = 128, out = D1 = 32, heads = H0 = 4
    inp['fc_W0'] = jax.random.normal(ks[5], (D0 * 2, H0 * D1), dtype=jnp.float32) * 0.05
    inp['attn_l0'] = jax.random.normal(ks[6], (H0, D1), dtype=jnp.float32) * 0.05
    inp['attn_r0'] = jax.random.normal(ks[7], (H0, D1), dtype=jnp.float32) * 0.05
    inp['res_W0'] = jax.random.normal(ks[8], (D0 * 2, H0 * D1), dtype=jnp.float32) * 0.05
    # GAT layer 1: in = H0*D1 = 128, out = D2 = 16, heads = H1 = 1
    inp['fc_W1'] = jax.random.normal(ks[9], (H0 * D1, H1 * D2), dtype=jnp.float32) * 0.05
    inp['attn_l1'] = jax.random.normal(ks[10], (H1, D2), dtype=jnp.float32) * 0.05
    inp['attn_r1'] = jax.random.normal(ks[11], (H1, D2), dtype=jnp.float32) * 0.05
    inp['res_W1'] = jax.random.normal(ks[12], (H0 * D1, H1 * D2), dtype=jnp.float32) * 0.05
    # decoding Dense layers: (D0*2 // H0) = 32 -> in_dims[i] = 128
    inp['dec_W0'] = jax.random.normal(ks[13], (D0 * 2 // H0, D_IN), dtype=jnp.float32) * 0.05
    inp['dec_b0'] = jnp.zeros((D_IN,), dtype=jnp.float32)
    inp['dec_W1'] = jax.random.normal(ks[14], (D0 * 2 // H0, D_IN), dtype=jnp.float32) * 0.05
    inp['dec_b1'] = jnp.zeros((D_IN,), dtype=jnp.float32)
    return inp


def _gat(h, src, dst, W, al, ar, resW, nH, dout, act):
    # DGL-style GATConv (inference: feat_drop/attn_drop off)
    feat = (h @ W).reshape(N, nH, dout)
    el = jnp.sum(feat * al[None, :, :], axis=-1)  # [N, H]
    er = jnp.sum(feat * ar[None, :, :], axis=-1)  # [N, H]
    e = el[src] + er[dst]                         # [E, H]
    e = jnp.where(e > 0, e, SLOPE * e)            # leaky_relu
    m = jax.ops.segment_max(e, dst, num_segments=N)
    m = jnp.where(jnp.isfinite(m), m, 0.0)
    ex = jnp.exp(e - m[dst])
    den = jax.ops.segment_sum(ex, dst, num_segments=N)
    a = ex / jnp.maximum(den[dst], 1e-9)          # edge softmax over incoming edges
    msg = a[:, :, None] * feat[src]               # [E, H, dout]
    rst = jax.ops.segment_sum(msg, dst, num_segments=N)  # [N, H, dout]
    rst = rst + (h @ resW).reshape(N, nH, dout)   # residual (res_fc since in != H*out shape mapping)
    if act:
        rst = jax.nn.relu(rst)
    return rst


def reference(feat0, feat1, edge_index, emb_W0, emb_b0, emb_W1, emb_b1,
              fc_W0, attn_l0, attn_r0, res_W0, fc_W1, attn_l1, attn_r1, res_W1,
              dec_W0, dec_b0, dec_W1, dec_b1):
    src = edge_index[0]
    dst = edge_index[1]
    # embedding(): per-feature Dense+relu, concat (dropout off at inference)
    h0 = jax.nn.relu(feat0 @ emb_W0 + emb_b0)
    h1 = jax.nn.relu(feat1 @ emb_W1 + emb_b1)
    h = jnp.concatenate([h0, h1], axis=1)         # [N, 128]
    h = _gat(h, src, dst, fc_W0, attn_l0, attn_r0, res_W0, H0, D1, True)  # [N, 4, 32]
    h = h.reshape(N, -1)                          # [N, 128]
    h = _gat(h, src, dst, fc_W1, attn_l1, attn_r1, res_W1, H1, D2, False)  # [N, 1, 16]
    # decoding(): tied-weight decoder using GAT fc weights transposed
    d = jax.nn.relu(h)
    d = d.reshape(N, -1)                          # i == num_layers: reshape
    d = jax.nn.relu(d @ fc_W1.T)                  # [N, 128]
    d = jax.nn.relu(d @ fc_W0.T)                  # [N, 128]
    d = d.reshape(N, H0, -1)                      # [N, 4, 32]
    d = jnp.mean(d, axis=1)                       # [N, 32]
    rec0 = jax.nn.sigmoid(d @ dec_W0 + dec_b0)    # [N, 128]
    rec1 = jax.nn.sigmoid(d @ dec_W1 + dec_b1)    # [N, 128]
    return (rec0, rec1)

if __name__ == "__main__":
    import jax
    _d = setup_inputs()
    print(jax.jit(kernel)(*tuple(_d.values())))

</pallas_src>

<mosaic_0001>
#map = affine_map<(d0, d1) -> (0)>
#map1 = affine_map<(d0, d1) -> (0, 0)>
#map2 = affine_map<(d0, d1) -> (0, 0, 0)>
module attributes {stable_mosaic.version = 14 : i64} {
  func.func @k(%arg0: i32, %arg1: i32, %arg2: memref<320000xi32, #tpu.memory_space<hbm>>, %arg3: memref<320000xi32, #tpu.memory_space<hbm>>, %arg4: memref<10000x128xf32, #tpu.memory_space<hbm>>, %arg5: memref<10000x128xf32, #tpu.memory_space<hbm>>, %arg6: memref<2x10000x128xf32, #tpu.memory_space<hbm>>, %arg7: memref<80xi32, #tpu.memory_space<vmem>>, %arg8: memref<80xi32, #tpu.memory_space<vmem>>, %arg9: memref<80x128xf32, #tpu.memory_space<vmem>>, %arg10: memref<80x128xf32, #tpu.memory_space<vmem>>, %arg11: memref<80x128xf32, #tpu.memory_space<vmem>>, %arg12: memref<80x128xf32, #tpu.memory_space<vmem>>, %arg13: memref<10000x128xf32, #tpu.memory_space<vmem_shared>>, %arg14: memref<!tpu.dma_semaphore, #tpu.memory_space<semaphore_mem>>, %arg15: memref<!tpu.dma_semaphore, #tpu.memory_space<semaphore_mem>>, %arg16: memref<!tpu.dma_semaphore, #tpu.memory_space<semaphore_mem>>) attributes {dimension_semantics = [#tpu.dimension_semantics<core_parallel>, #tpu.dimension_semantics<subcore_parallel>], iteration_bounds = array<i64: 2, 16>, scalar_prefetch = 0 : i64, scratch_operands = 10 : i64, tpu.core_type = #tpu.core_type<sc_vector_subcore>, window_params = [{transform_indices = #map}, {transform_indices = #map}, {transform_indices = #map1}, {transform_indices = #map1}, {transform_indices = #map2}]} {
    %broadcast_in_dim3A = arith.constant 0.000000e+00 : f32
    %broadcast_in_dim3A_0 = vector.broadcast %broadcast_in_dim3A : f32 to vector<16xf32>
    %scan3A = arith.constant 0 : i32
    %scan3A_1 = arith.constant 0 : i32
    %scan3A_2 = arith.constant 80 : i32
    %scan3A_3 = arith.addi %scan3A_1, %scan3A_2 : i32
    %scan3A_4 = arith.constant 1 : i32
    %scan3A_5 = scf.for %scan3A_22 = %scan3A_1 to %scan3A_3 step %scan3A_4 iter_args(%scan3A_23 = %scan3A) -> (i32)  : i32 {
      %swap3A = arith.index_cast %scan3A_22 : i32 to index
      %swap3A_24 = arith.constant 0 : index
      %swap3A_25 = tpu.vector_load %arg12[%swap3A, %swap3A_24] {strides = array<i32>} : memref<80x128xf32, #tpu.memory_space<vmem>>, vector<1x16xf32>,
      %swap3A_26 = vector.shape_cast %swap3A_25 : vector<1x16xf32> to vector<16xf32>
      %swap3A_27 = vector.shape_cast %broadcast_in_dim3A_0 : vector<16xf32> to vector<1x16xf32>
      tpu.vector_store %arg12[%swap3A, %swap3A_24], %swap3A_27 {strides = array<i32>} : memref<80x128xf32, #tpu.memory_space<vmem>>, vector<1x16xf32>,
      %swap3A_28 = arith.index_cast %scan3A_22 : i32 to index
      %swap3A_29 = arith.constant 16 : index
      %swap3A_30 = tpu.vector_load %arg12[%swap3A_28, %swap3A_29] {strides = array<i32>} : memref<80x128xf32, #tpu.memory_space<vmem>>, vector<1x16xf32>,
      %swap3A_31 = vector.shape_cast %swap3A_30 : vector<1x16xf32> to vector<16xf32>
      %swap3A_32 = vector.shape_cast %broadcast_in_dim3A_0 : vector<16xf32> to vector<1x16xf32>
      tpu.vector_store %arg12[%swap3A_28, %swap3A_29], %swap3A_32 {strides = array<i32>} : memref<80x128xf32, #tpu.memory_space<vmem>>, vector<1x16xf32>,
      %swap3A_33 = arith.index_cast %scan3A_22 : i32 to index
      %swap3A_34 = arith.constant 32 : index
      %swap3A_35 = tpu.vector_load %arg12[%swap3A_33, %swap3A_34] {strides = array<i32>} : memref<80x128xf32, #tpu.memory_space<vmem>>, vector<1x16xf32>,
      %swap3A_36 = vector.shape_cast %swap3A_35 : vector<1x16xf32> to vector<16xf32>
      %swap3A_37 = vector.shape_cast %broadcast_in_dim3A_0 : vector<16xf32> to vector<1x16xf32>
      tpu.vector_store %arg12[%swap3A_33, %swap3A_34], %swap3A_37 {strides = array<i32>} : memref<80x128xf32, #tpu.memory_space<vmem>>, vector<1x16xf32>,
      %swap3A_38 = arith.index_cast %scan3A_22 : i32 to index
      %swap3A_39 = arith.constant 48 : index
      %swap3A_40 = tpu.vector_load %arg12[%swap3A_38, %swap3A_39] {strides = array<i32>} : memref<80x128xf32, #tpu.memory_space<vmem>>, vector<1x16xf32>,
      %swap3A_41 = vector.shape_cast %swap3A_40 : vector<1x16xf32> to vector<16xf32>
      %swap3A_42 = vector.shape_cast %broadcast_in_dim3A_0 : vector<16xf32> to vector<1x16xf32>
      tpu.vector_store %arg12[%swap3A_38, %swap3A_39], %swap3A_42 {strides = array<i32>} : memref<80x128xf32, #tpu.memory_space<vmem>>, vector<1x16xf32>,
      %swap3A_43 = arith.index_cast %scan3A_22 : i32 to index
      %swap3A_44 = arith.constant 64 : index
      %swap3A_45 = tpu.vector_load %arg12[%swap3A_43, %swap3A_44] {strides = array<i32>} : memref<80x128xf32, #tpu.memory_space<vmem>>, vector<1x16xf32>,
      %swap3A_46 = vector.shape_cast %swap3A_45 : vector<1x16xf32> to vector<16xf32>
      %swap3A_47 = vector.shape_cast %broadcast_in_dim3A_0 : vector<16xf32> to vector<1x16xf32>
      tpu.vector_store %arg12[%swap3A_43, %swap3A_44], %swap3A_47 {strides = array<i32>} : memref<80x128xf32, #tpu.memory_space<vmem>>, vector<1x16xf32>,
      %swap3A_48 = arith.index_cast %scan3A_22 : i32 to index
      %swap3A_49 = arith.constant 80 : index
      %swap3A_50 = tpu.vector_load %arg12[%swap3A_48, %swap3A_49] {strides = array<i32>} : memref<80x128xf32, #tpu.memory_space<vmem>>, vector<1x16xf32>,
      %swap3A_51 = vector.shape_cast %swap3A_50 : vector<1x16xf32> to vector<16xf32>
      %swap3A_52 = vector.shape_cast %broadcast_in_dim3A_0 : vector<16xf32> to vector<1x16xf32>
      tpu.vector_store %arg12[%swap3A_48, %swap3A_49], %swap3A_52 {strides = array<i32>} : memref<80x128xf32, #tpu.memory_space<vmem>>, vector<1x16xf32>,
      %swap3A_53 = arith.index_cast %scan3A_22 : i32 to index
      %swap3A_54 = arith.constant 96 : index
      %swap3A_55 = tpu.vector_load %arg12[%swap3A_53, %swap3A_54] {strides = array<i32>} : memref<80x128xf32, #tpu.memory_space<vmem>>, vector<1x16xf32>,
      %swap3A_56 = vector.shape_cast %swap3A_55 : vector<1x16xf32> to vector<16xf32>
      %swap3A_57 = vector.shape_cast %broadcast_in_dim3A_0 : vector<16xf32> to vector<1x16xf32>
      tpu.vector_store %arg12[%swap3A_53, %swap3A_54], %swap3A_57 {strides = array<i32>} : memref<80x128xf32, #tpu.memory_space<vmem>>, vector<1x16xf32>,
      %swap3A_58 = arith.index_cast %scan3A_22 : i32 to index
      %swap3A_59 = arith.constant 112 : index
      %swap3A_60 = tpu.vector_load %arg12[%swap3A_58, %swap3A_59] {strides = array<i32>} : memref<80x128xf32, #tpu.memory_space<vmem>>, vector<1x16xf32>,
      %swap3A_61 = vector.shape_cast %swap3A_60 : vector<1x16xf32> to vector<16xf32>
      %swap3A_62 = vector.shape_cast %broadcast_in_dim3A_0 : vector<16xf32> to vector<1x16xf32>
      tpu.vector_store %arg12[%swap3A_58, %swap3A_59], %swap3A_62 {strides = array<i32>} : memref<80x128xf32, #tpu.memory_space<vmem>>, vector<1x16xf32>,
      %scan3A_63 = arith.constant 0 : i32
      scf.yield %scan3A_63 : i32
    }
    %scan3A_6 = arith.constant 80 : i32
    %lt3A = arith.constant 10 : i32
    %lt3A_7 = arith.cmpi slt, %arg1, %lt3A : i32
    %convert_element_type3A = arith.extui %lt3A_7 : i1 to i32
    %cond3A = arith.constant 0 : i32
    %cond3A_8 = arith.cmpi ne, %convert_element_type3A, %cond3A : i32
    scf.if %cond3A_8 {
      %scan3A_22 = arith.constant 0 : i32
      %scan3A_23 = arith.constant 0 : i32
      %scan3A_24 = arith.constant 12 : i32
      %scan3A_25 = arith.addi %scan3A_23, %scan3A_24 : i32
      %scan3A_26 = arith.constant 1 : i32
      %scan3A_27 = scf.for %scan3A_31 = %scan3A_23 to %scan3A_25 step %scan3A_26 iter_args(%scan3A_32 = %scan3A_22) -> (i32)  : i32 {
        %mul3A_33 = arith.constant 1000 : i32
        %mul3A_34 = arith.muli %arg1, %mul3A_33 : i32
        %mul3A_35 = arith.constant 80 : i32
        %mul3A_36 = arith.muli %scan3A_31, %mul3A_35 : i32
        %add3A_37 = arith.addi %mul3A_34, %mul3A_36 : i32
        "tpu.region"() ({
          %run_scoped3A = tpu.sem_alloc : memref<!tpu.dma_semaphore, #tpu.memory_space<semaphore_mem>>
          %dma_start3A = arith.constant 0 : i32
          %dma_start3A_39 = arith.constant 0 : i32
          %dma_start3A_40 = tpu.memref_slice %arg12[%dma_start3A, %dma_start3A_39] : memref<80x128xf32, #tpu.memory_space<vmem>> -> memref<80x128xf32, #tpu.memory_space<vmem>>
          %dma_start3A_41 = arith.constant 0 : i32
          %dma_start3A_42 = tpu.memref_slice %arg13[%add3A_37, %dma_start3A_41] : memref<10000x128xf32, #tpu.memory_space<vmem_shared>> -> memref<80x128xf32, #tpu.memory_space<vmem_shared>>
          %dma_start3A_43 = arith.constant 0 : i32
          %dma_start3A_44 = tpu.memref_slice %arg13[%add3A_37, %dma_start3A_43] : memref<10000x128xf32, #tpu.memory_space<vmem_shared>> -> memref<80x128xf32, #tpu.memory_space<vmem_shared>>
          %dma_start3A_45 = arith.constant 0 : i32
          %dma_start3A_46 = arith.constant 0 : i32
          %dma_start3A_47 = tpu.memref_slice %arg12[%dma_start3A_45, %dma_start3A_46] : memref<80x128xf32, #tpu.memory_space<vmem>> -> memref<80x128xf32, #tpu.memory_space<vmem>>
          tpu.enqueue_dma source(%dma_start3A_47 : memref<80x128xf32, #tpu.memory_space<vmem>>) target(%dma_start3A_44 : memref<80x128xf32, #tpu.memory_space<vmem_shared>>) target_semaphore(%run_scoped3A : memref<!tpu.dma_semaphore, #tpu.memory_space<semaphore_mem>>)
          %dma_wait3A = arith.constant 0 : i32
          %dma_wait3A_48 = arith.constant 0 : i32
          %dma_wait3A_49 = tpu.memref_slice %arg12[%dma_wait3A, %dma_wait3A_48] : memref<80x128xf32, #tpu.memory_space<vmem>> -> memref<80x128xf32, #tpu.memory_space<vmem>>
          %dma_wait3A_50 = arith.constant 0 : i32
          %dma_wait3A_51 = tpu.memref_slice %arg13[%add3A_37, %dma_wait3A_50] : memref<10000x128xf32, #tpu.memory_space<vmem_shared>> -> memref<80x128xf32, #tpu.memory_space<vmem_shared>>
          %dma_wait3A_52 = arith.constant 0 : i32
          %dma_wait3A_53 = tpu.memref_slice %arg13[%add3A_37, %dma_wait3A_52] : memref<10000x128xf32, #tpu.memory_space<vmem_shared>> -> memref<80x128xf32, #tpu.memory_space<vmem_shared>>
          %dma_wait3A_54 = arith.constant 0 : i32
          %dma_wait3A_55 = arith.constant 0 : i32
          %dma_wait3A_56 = tpu.memref_slice %arg12[%dma_wait3A_54, %dma_wait3A_55] : memref<80x128xf32, #tpu.memory_space<vmem>> -> memref<80x128xf32, #tpu.memory_space<vmem>>
          tpu.wait_dma2 semaphore(%run_scoped3A : memref<!tpu.dma_semaphore, #tpu.memory_space<semaphore_mem>>) src(%dma_wait3A_56 : memref<80x128xf32, #tpu.memory_space<vmem>>) dst(%dma_wait3A_53 : memref<80x128xf32, #tpu.memory_space<vmem_shared>>)
          tpu.yield
        }) : () -> ()
        %scan3A_38 = arith.constant 0 : i32
        scf.yield %scan3A_38 : i32
      }
      %scan3A_28 = arith.constant 12 : i32
      %mul3A = arith.constant 1000 : i32
      %mul3A_29 = arith.muli %arg1, %mul3A : i32
      %add3A = arith.constant 960 : i32
      %add3A_30 = arith.addi %mul3A_29, %add3A : i32
      "tpu.region"() ({
        %run_scoped3A = tpu.sem_alloc : memref<!tpu.dma_semaphore, #tpu.memory_space<semaphore_mem>>
        %dma_start3A = arith.constant 0 : i32
        %dma_start3A_31 = arith.constant 0 : i32
        %dma_start3A_32 = tpu.memref_slice %arg12[%dma_start3A, %dma_start3A_31] : memref<80x128xf32, #tpu.memory_space<vmem>> -> memref<40x128xf32, #tpu.memory_space<vmem>>
        %dma_start3A_33 = arith.constant 0 : i32
        %dma_start3A_34 = tpu.memref_slice %arg13[%add3A_30, %dma_start3A_33] : memref<10000x128xf32, #tpu.memory_space<vmem_shared>> -> memref<40x128xf32, #tpu.memory_space<vmem_shared>>
        %dma_start3A_35 = arith.constant 0 : i32
        %dma_start3A_36 = tpu.memref_slice %arg13[%add3A_30, %dma_start3A_35] : memref<10000x128xf32, #tpu.memory_space<vmem_shared>> -> memref<40x128xf32, #tpu.memory_space<vmem_shared>>
        %dma_start3A_37 = arith.constant 0 : i32
        %dma_start3A_38 = arith.constant 0 : i32
        %dma_start3A_39 = tpu.memref_slice %arg12[%dma_start3A_37, %dma_start3A_38] : memref<80x128xf32, #tpu.memory_space<vmem>> -> memref<40x128xf32, #tpu.memory_space<vmem>>
        tpu.enqueue_dma source(%dma_start3A_39 : memref<40x128xf32, #tpu.memory_space<vmem>>) target(%dma_start3A_36 : memref<40x128xf32, #tpu.memory_space<vmem_shared>>) target_semaphore(%run_scoped3A : memref<!tpu.dma_semaphore, #tpu.memory_space<semaphore_mem>>)
        %dma_wait3A = arith.constant 0 : i32
        %dma_wait3A_40 = arith.constant 0 : i32
        %dma_wait3A_41 = tpu.memref_slice %arg12[%dma_wait3A, %dma_wait3A_40] : memref<80x128xf32, #tpu.memory_space<vmem>> -> memref<40x128xf32, #tpu.memory_space<vmem>>
        %dma_wait3A_42 = arith.constant 0 : i32
        %dma_wait3A_43 = tpu.memref_slice %arg13[%add3A_30, %dma_wait3A_42] : memref<10000x128xf32, #tpu.memory_space<vmem_shared>> -> memref<40x128xf32, #tpu.memory_space<vmem_shared>>
        %dma_wait3A_44 = arith.constant 0 : i32
        %dma_wait3A_45 = tpu.memref_slice %arg13[%add3A_30, %dma_wait3A_44] : memref<10000x128xf32, #tpu.memory_space<vmem_shared>> -> memref<40x128xf32, #tpu.memory_space<vmem_shared>>
        %dma_wait3A_46 = arith.constant 0 : i32
        %dma_wait3A_47 = arith.constant 0 : i32
        %dma_wait3A_48 = tpu.memref_slice %arg12[%dma_wait3A_46, %dma_wait3A_47] : memref<80x128xf32, #tpu.memory_space<vmem>> -> memref<40x128xf32, #tpu.memory_space<vmem>>
        tpu.wait_dma2 semaphore(%run_scoped3A : memref<!tpu.dma_semaphore, #tpu.memory_space<semaphore_mem>>) src(%dma_wait3A_48 : memref<40x128xf32, #tpu.memory_space<vmem>>) dst(%dma_wait3A_45 : memref<40x128xf32, #tpu.memory_space<vmem_shared>>)
        tpu.yield
      }) : () -> ()
    } else {
    }
    %barrier3A = arith.constant 0 : index
    tpu.barrier barrier_id(%barrier3A)
    %scan3A_9 = arith.constant 0 : i32
    %scan3A_10 = arith.constant 0 : i32
    %scan3A_11 = arith.constant 250 : i32
    %scan3A_12 = arith.addi %scan3A_10, %scan3A_11 : i32
    %scan3A_13 = arith.constant 1 : i32
    %scan3A_14 = scf.for %scan3A_22 = %scan3A_10 to %scan3A_12 step %scan3A_13 iter_args(%scan3A_23 = %scan3A_9) -> (i32)  : i32 {
      %mul3A = arith.constant 20000 : i32
      %mul3A_24 = arith.muli %arg1, %mul3A : i32
      %mul3A_25 = arith.constant 80 : i32
      %mul3A_26 = arith.muli %scan3A_22, %mul3A_25 : i32
      %add3A = arith.addi %mul3A_24, %mul3A_26 : i32
      "tpu.region"() ({
        %run_scoped3A = tpu.sem_alloc : memref<!tpu.dma_semaphore, #tpu.memory_space<semaphore_mem>>
        %dma_start3A_42 = tpu.memref_slice %arg2[%add3A] : memref<320000xi32, #tpu.memory_space<hbm>> -> memref<80xi32, #tpu.memory_space<hbm>>
        %dma_start3A_43 = tpu.memref_slice %arg2[%add3A] : memref<320000xi32, #tpu.memory_space<hbm>> -> memref<80xi32, #tpu.memory_space<hbm>>
        tpu.enqueue_dma source(%dma_start3A_43 : memref<80xi32, #tpu.memory_space<hbm>>) target(%arg7 : memref<80xi32, #tpu.memory_space<vmem>>) target_semaphore(%run_scoped3A : memref<!tpu.dma_semaphore, #tpu.memory_space<semaphore_mem>>)
        %dma_wait3A = tpu.memref_slice %arg2[%add3A] : memref<320000xi32, #tpu.memory_space<hbm>> -> memref<80xi32, #tpu.memory_space<hbm>>
        %dma_wait3A_44 = tpu.memref_slice %arg2[%add3A] : memref<320000xi32, #tpu.memory_space<hbm>> -> memref<80xi32, #tpu.memory_space<hbm>>
        tpu.wait_dma2 semaphore(%run_scoped3A : memref<!tpu.dma_semaphore, #tpu.memory_space<semaphore_mem>>) src(%dma_wait3A_44 : memref<80xi32, #tpu.memory_space<hbm>>) dst(%arg7 : memref<80xi32, #tpu.memory_space<vmem>>)
        tpu.yield
      }) : () -> ()
      "tpu.region"() ({
        %run_scoped3A = tpu.sem_alloc : memref<!tpu.dma_semaphore, #tpu.memory_space<semaphore_mem>>
        %dma_start3A_42 = tpu.memref_slice %arg3[%add3A] : memref<320000xi32, #tpu.memory_space<hbm>> -> memref<80xi32, #tpu.memory_space<hbm>>
        %dma_start3A_43 = tpu.memref_slice %arg3[%add3A] : memref<320000xi32, #tpu.memory_space<hbm>> -> memref<80xi32, #tpu.memory_space<hbm>>
        tpu.enqueue_dma source(%dma_start3A_43 : memref<80xi32, #tpu.memory_space<hbm>>) target(%arg8 : memref<80xi32, #tpu.memory_space<vmem>>) target_semaphore(%run_scoped3A : memref<!tpu.dma_semaphore, #tpu.memory_space<semaphore_mem>>)
        %dma_wait3A = tpu.memref_slice %arg3[%add3A] : memref<320000xi32, #tpu.memory_space<hbm>> -> memref<80xi32, #tpu.memory_space<hbm>>
        %dma_wait3A_44 = tpu.memref_slice %arg3[%add3A] : memref<320000xi32, #tpu.memory_space<hbm>> -> memref<80xi32, #tpu.memory_space<hbm>>
        tpu.wait_dma2 semaphore(%run_scoped3A : memref<!tpu.dma_semaphore, #tpu.memory_space<semaphore_mem>>) src(%dma_wait3A_44 : memref<80xi32, #tpu.memory_space<hbm>>) dst(%arg8 : memref<80xi32, #tpu.memory_space<vmem>>)
        tpu.yield
      }) : () -> ()
      %dma_start3A = arith.constant 0 : i32
      %dma_start3A_27 = arith.constant 0 : i32
      %dma_start3A_28 = tpu.memref_slice %arg4[%dma_start3A, %dma_start3A_27] : memref<10000x128xf32, #tpu.memory_space<hbm>> -> memref<10000x128xf32, #tpu.memory_space<hbm>>
      tpu.enqueue_indirect_dma source(%dma_start3A_28 : memref<10000x128xf32, #tpu.memory_space<hbm>>) target(%arg9 : memref<80x128xf32, #tpu.memory_space<vmem>>) offsets(%arg7 : memref<80xi32, #tpu.memory_space<vmem>>) semaphore(%arg14 : memref<!tpu.dma_semaphore, #tpu.memory_space<semaphore_mem>>)
      %dma_start3A_29 = arith.constant 0 : i32
      %dma_start3A_30 = arith.constant 0 : i32
      %dma_start3A_31 = tpu.memref_slice %arg4[%dma_start3A_29, %dma_start3A_30] : memref<10000x128xf32, #tpu.memory_space<hbm>> -> memref<10000x128xf32, #tpu.memory_space<hbm>>
      tpu.enqueue_indirect_dma source(%dma_start3A_31 : memref<10000x128xf32, #tpu.memory_space<hbm>>) target(%arg10 : memref<80x128xf32, #tpu.memory_space<vmem>>) offsets(%arg8 : memref<80xi32, #tpu.memory_space<vmem>>) semaphore(%arg15 : memref<!tpu.dma_semaphore, #tpu.memory_space<semaphore_mem>>)
      %eq3A = arith.constant 0 : i32
      %eq3A_32 = arith.cmpi eq, %arg0, %eq3A : i32
      %convert_element_type3A_33 = arith.extui %eq3A_32 : i1 to i32
      %cond3A_34 = arith.constant 0 : i32
      %cond3A_35 = arith.cmpi ne, %convert_element_type3A_33, %cond3A_34 : i32
      scf.if %cond3A_35 {
        %dma_start3A_42 = arith.constant 0 : i32
        %dma_start3A_43 = arith.constant 0 : i32
        %dma_start3A_44 = tpu.memref_slice %arg5[%dma_start3A_42, %dma_start3A_43] : memref<10000x128xf32, #tpu.memory_space<hbm>> -> memref<10000x128xf32, #tpu.memory_space<hbm>>
        tpu.enqueue_indirect_dma source(%dma_start3A_44 : memref<10000x128xf32, #tpu.memory_space<hbm>>) target(%arg11 : memref<80x128xf32, #tpu.memory_space<vmem>>) offsets(%arg7 : memref<80xi32, #tpu.memory_space<vmem>>) semaphore(%arg16 : memref<!tpu.dma_semaphore, #tpu.memory_space<semaphore_mem>>)
        %dma_wait3A = arith.constant 0 : i32
        %dma_wait3A_45 = arith.constant 0 : i32
        %dma_wait3A_46 = tpu.memref_slice %arg4[%dma_wait3A, %dma_wait3A_45] : memref<10000x128xf32, #tpu.memory_space<hbm>> -> memref<10000x128xf32, #tpu.memory_space<hbm>>
        tpu.wait_indirect_dma semaphore(%arg14 : memref<!tpu.dma_semaphore, #tpu.memory_space<semaphore_mem>>) src(%dma_wait3A_46 : memref<10000x128xf32, #tpu.memory_space<hbm>>) dst(%arg9 : memref<80x128xf32, #tpu.memory_space<vmem>>)
        %dma_wait3A_47 = arith.constant 0 : i32
        %dma_wait3A_48 = arith.constant 0 : i32
        %dma_wait3A_49 = tpu.memref_slice %arg4[%dma_wait3A_47, %dma_wait3A_48] : memref<10000x128xf32, #tpu.memory_space<hbm>> -> memref<10000x128xf32, #tpu.memory_space<hbm>>
        tpu.wait_indirect_dma semaphore(%arg15 : memref<!tpu.dma_semaphore, #tpu.memory_space<semaphore_mem>>) src(%dma_wait3A_49 : memref<10000x128xf32, #tpu.memory_space<hbm>>) dst(%arg10 : memref<80x128xf32, #tpu.memory_space<vmem>>)
        %dma_wait3A_50 = arith.constant 0 : i32
        %dma_wait3A_51 = arith.constant 0 : i32
        %dma_wait3A_52 = tpu.memref_slice %arg5[%dma_wait3A_50, %dma_wait3A_51] : memref<10000x128xf32, #tpu.memory_space<hbm>> -> memref<10000x128xf32, #tpu.memory_space<hbm>>
        tpu.wait_indirect_dma semaphore(%arg16 : memref<!tpu.dma_semaphore, #tpu.memory_space<semaphore_mem>>) src(%dma_wait3A_52 : memref<10000x128xf32, #tpu.memory_space<hbm>>) dst(%arg11 : memref<80x128xf32, #tpu.memory_space<vmem>>)
        %scan3A_53 = arith.constant 0 : i32
        %scan3A_54 = arith.constant 0 : i32
        %scan3A_55 = arith.constant 80 : i32
        %scan3A_56 = arith.addi %scan3A_54, %scan3A_55 : i32
        %scan3A_57 = arith.constant 1 : i32
        %scan3A_58 = scf.for %scan3A_60 = %scan3A_54 to %scan3A_56 step %scan3A_57 iter_args(%scan3A_61 = %scan3A_53) -> (i32)  : i32 {
          %get3A = arith.index_cast %scan3A_60 : i32 to index
          %get3A_62 = arith.constant 0 : index
          %get3A_63 = tpu.vector_load %arg9[%get3A, %get3A_62] {strides = array<i32>} : memref<80x128xf32, #tpu.memory_space<vmem>>, vector<1x16xf32>,
          %get3A_64 = vector.shape_cast %get3A_63 : vector<1x16xf32> to vector<16xf32>
          %get3A_65 = arith.index_cast %scan3A_60 : i32 to index
          %get3A_66 = arith.constant 16 : index
          %get3A_67 = tpu.vector_load %arg10[%get3A_65, %get3A_66] {strides = array<i32>} : memref<80x128xf32, #tpu.memory_space<vmem>>, vector<1x16xf32>,
          %get3A_68 = vector.shape_cast %get3A_67 : vector<1x16xf32> to vector<16xf32>
          %add3A_69 = arith.addf %get3A_64, %get3A_68 : vector<16xf32>
          %mul3A_70 = arith.constant 2.000000e-01 : f32
          %mul3A_71 = vector.broadcast %mul3A_70 : f32 to vector<16xf32>
          %mul3A_72 = arith.mulf %mul3A_71, %add3A_69 : vector<16xf32>
          %max3A = arith.maximumf %add3A_69, %mul3A_72 : vector<16xf32>
          %exp3A = math.exp %max3A : vector<16xf32>
          %get3A_73 = arith.index_cast %scan3A_60 : i32 to index
          %get3A_74 = arith.constant 0 : index
          %get3A_75 = tpu.vector_load %arg11[%get3A_73, %get3A_74] {strides = array<i32>} : memref<80x128xf32, #tpu.memory_space<vmem>>, vector<1x16xf32>,
          %get3A_76 = vector.shape_cast %get3A_75 : vector<1x16xf32> to vector<16xf32>
          %mul3A_77 = arith.mulf %get3A_76, %exp3A : vector<16xf32>
          %swap3A = arith.index_cast %scan3A_60 : i32 to index
          %swap3A_78 = arith.constant 0 : index
          %swap3A_79 = tpu.vector_load %arg12[%swap3A, %swap3A_78] {strides = array<i32>} : memref<80x128xf32, #tpu.memory_space<vmem>>, vector<1x16xf32>,
          %swap3A_80 = vector.shape_cast %swap3A_79 : vector<1x16xf32> to vector<16xf32>
          %swap3A_81 = vector.shape_cast %mul3A_77 : vector<16xf32> to vector<1x16xf32>
          tpu.vector_store %arg12[%swap3A, %swap3A_78], %swap3A_81 {strides = array<i32>} : memref<80x128xf32, #tpu.memory_space<vmem>>, vector<1x16xf32>,
          %get3A_82 = arith.index_cast %scan3A_60 : i32 to index
          %get3A_83 = arith.constant 16 : index
          %get3A_84 = tpu.vector_load %arg11[%get3A_82, %get3A_83] {strides = array<i32>} : memref<80x128xf32, #tpu.memory_space<vmem>>, vector<1x16xf32>,
          %get3A_85 = vector.shape_cast %get3A_84 : vector<1x16xf32> to vector<16xf32>
          %mul3A_86 = arith.mulf %get3A_85, %exp3A : vector<16xf32>
          %swap3A_87 = arith.index_cast %scan3A_60 : i32 to index
          %swap3A_88 = arith.constant 16 : index
          %swap3A_89 = tpu.vector_load %arg12[%swap3A_87, %swap3A_88] {strides = array<i32>} : memref<80x128xf32, #tpu.memory_space<vmem>>, vector<1x16xf32>,
          %swap3A_90 = vector.shape_cast %swap3A_89 : vector<1x16xf32> to vector<16xf32>
          %swap3A_91 = vector.shape_cast %mul3A_86 : vector<16xf32> to vector<1x16xf32>
          tpu.vector_store %arg12[%swap3A_87, %swap3A_88], %swap3A_91 {strides = array<i32>} : memref<80x128xf32, #tpu.memory_space<vmem>>, vector<1x16xf32>,
          %get3A_92 = arith.index_cast %scan3A_60 : i32 to index
          %get3A_93 = arith.constant 32 : index
          %get3A_94 = tpu.vector_load %arg11[%get3A_92, %get3A_93] {strides = array<i32>} : memref<80x128xf32, #tpu.memory_space<vmem>>, vector<1x16xf32>,
          %get3A_95 = vector.shape_cast %get3A_94 : vector<1x16xf32> to vector<16xf32>
          %mul3A_96 = arith.mulf %get3A_95, %exp3A : vector<16xf32>
          %swap3A_97 = arith.index_cast %scan3A_60 : i32 to index
          %swap3A_98 = arith.constant 32 : index
          %swap3A_99 = tpu.vector_load %arg12[%swap3A_97, %swap3A_98] {strides = array<i32>} : memref<80x128xf32, #tpu.memory_space<vmem>>, vector<1x16xf32>,
          %swap3A_100 = vector.shape_cast %swap3A_99 : vector<1x16xf32> to vector<16xf32>
          %swap3A_101 = vector.shape_cast %mul3A_96 : vector<16xf32> to vector<1x16xf32>
          tpu.vector_store %arg12[%swap3A_97, %swap3A_98], %swap3A_101 {strides = array<i32>} : memref<80x128xf32, #tpu.memory_space<vmem>>, vector<1x16xf32>,
          %get3A_102 = arith.index_cast %scan3A_60 : i32 to index
          %get3A_103 = arith.constant 48 : index
          %get3A_104 = tpu.vector_load %arg11[%get3A_102, %get3A_103] {strides = array<i32>} : memref<80x128xf32, #tpu.memory_space<vmem>>, vector<1x16xf32>,
          %get3A_105 = vector.shape_cast %get3A_104 : vector<1x16xf32> to vector<16xf32>
          %mul3A_106 = arith.mulf %get3A_105, %exp3A : vector<16xf32>
          %swap3A_107 = arith.index_cast %scan3A_60 : i32 to index
          %swap3A_108 = arith.constant 48 : index
          %swap3A_109 = tpu.vector_load %arg12[%swap3A_107, %swap3A_108] {strides = array<i32>} : memref<80x128xf32, #tpu.memory_space<vmem>>, vector<1x16xf32>,
          %swap3A_110 = vector.shape_cast %swap3A_109 : vector<1x16xf32> to vector<16xf32>
          %swap3A_111 = vector.shape_cast %mul3A_106 : vector<16xf32> to vector<1x16xf32>
          tpu.vector_store %arg12[%swap3A_107, %swap3A_108], %swap3A_111 {strides = array<i32>} : memref<80x128xf32, #tpu.memory_space<vmem>>, vector<1x16xf32>,
          %get3A_112 = arith.index_cast %scan3A_60 : i32 to index
          %get3A_113 = arith.constant 64 : index
          %get3A_114 = tpu.vector_load %arg11[%get3A_112, %get3A_113] {strides = array<i32>} : memref<80x128xf32, #tpu.memory_space<vmem>>, vector<1x16xf32>,
          %get3A_115 = vector.shape_cast %get3A_114 : vector<1x16xf32> to vector<16xf32>
          %mul3A_116 = arith.mulf %get3A_115, %exp3A : vector<16xf32>
          %swap3A_117 = arith.index_cast %scan3A_60 : i32 to index
          %swap3A_118 = arith.constant 64 : index
          %swap3A_119 = tpu.vector_load %arg12[%swap3A_117, %swap3A_118] {strides = array<i32>} : memref<80x128xf32, #tpu.memory_space<vmem>>, vector<1x16xf32>,
          %swap3A_120 = vector.shape_cast %swap3A_119 : vector<1x16xf32> to vector<16xf32>
          %swap3A_121 = vector.shape_cast %mul3A_116 : vector<16xf32> to vector<1x16xf32>
          tpu.vector_store %arg12[%swap3A_117, %swap3A_118], %swap3A_121 {strides = array<i32>} : memref<80x128xf32, #tpu.memory_space<vmem>>, vector<1x16xf32>,
          %get3A_122 = arith.index_cast %scan3A_60 : i32 to index
          %get3A_123 = arith.constant 80 : index
          %get3A_124 = tpu.vector_load %arg11[%get3A_122, %get3A_123] {strides = array<i32>} : memref<80x128xf32, #tpu.memory_space<vmem>>, vector<1x16xf32>,
          %get3A_125 = vector.shape_cast %get3A_124 : vector<1x16xf32> to vector<16xf32>
          %mul3A_126 = arith.mulf %get3A_125, %exp3A : vector<16xf32>
          %swap3A_127 = arith.index_cast %scan3A_60 : i32 to index
          %swap3A_128 = arith.constant 80 : index
          %swap3A_129 = tpu.vector_load %arg12[%swap3A_127, %swap3A_128] {strides = array<i32>} : memref<80x128xf32, #tpu.memory_space<vmem>>, vector<1x16xf32>,
          %swap3A_130 = vector.shape_cast %swap3A_129 : vector<1x16xf32> to vector<16xf32>
          %swap3A_131 = vector.shape_cast %mul3A_126 : vector<16xf32> to vector<1x16xf32>
          tpu.vector_store %arg12[%swap3A_127, %swap3A_128], %swap3A_131 {strides = array<i32>} : memref<80x128xf32, #tpu.memory_space<vmem>>, vector<1x16xf32>,
          %get3A_132 = arith.index_cast %scan3A_60 : i32 to index
          %get3A_133 = arith.constant 96 : index
          %get3A_134 = tpu.vector_load %arg11[%get3A_132, %get3A_133] {strides = array<i32>} : memref<80x128xf32, #tpu.memory_space<vmem>>, vector<1x16xf32>,
          %get3A_135 = vector.shape_cast %get3A_134 : vector<1x16xf32> to vector<16xf32>
          %mul3A_136 = arith.mulf %get3A_135, %exp3A : vector<16xf32>
          %swap3A_137 = arith.index_cast %scan3A_60 : i32 to index
          %swap3A_138 = arith.constant 96 : index
          %swap3A_139 = tpu.vector_load %arg12[%swap3A_137, %swap3A_138] {strides = array<i32>} : memref<80x128xf32, #tpu.memory_space<vmem>>, vector<1x16xf32>,
          %swap3A_140 = vector.shape_cast %swap3A_139 : vector<1x16xf32> to vector<16xf32>
          %swap3A_141 = vector.shape_cast %mul3A_136 : vector<16xf32> to vector<1x16xf32>
          tpu.vector_store %arg12[%swap3A_137, %swap3A_138], %swap3A_141 {strides = array<i32>} : memref<80x128xf32, #tpu.memory_space<vmem>>, vector<1x16xf32>,
          %get3A_142 = arith.index_cast %scan3A_60 : i32 to index
          %get3A_143 = arith.constant 112 : index
          %get3A_144 = tpu.vector_load %arg11[%get3A_142, %get3A_143] {strides = array<i32>} : memref<80x128xf32, #tpu.memory_space<vmem>>, vector<1x16xf32>,
          %get3A_145 = vector.shape_cast %get3A_144 : vector<1x16xf32> to vector<16xf32>
          %mul3A_146 = arith.mulf %get3A_145, %exp3A : vector<16xf32>
          %swap3A_147 = arith.index_cast %scan3A_60 : i32 to index
          %swap3A_148 = arith.constant 112 : index
          %swap3A_149 = tpu.vector_load %arg12[%swap3A_147, %swap3A_148] {strides = array<i32>} : memref<80x128xf32, #tpu.memory_space<vmem>>, vector<1x16xf32>,
          %swap3A_150 = vector.shape_cast %swap3A_149 : vector<1x16xf32> to vector<16xf32>
          %swap3A_151 = vector.shape_cast %mul3A_146 : vector<16xf32> to vector<1x16xf32>
          tpu.vector_store %arg12[%swap3A_147, %swap3A_148], %swap3A_151 {strides = array<i32>} : memref<80x128xf32, #tpu.memory_space<vmem>>, vector<1x16xf32>,
          %scan3A_152 = arith.constant 0 : i32
          scf.yield %scan3A_152 : i32
        }
        %scan3A_59 = arith.constant 80 : i32
      } else {
      }
      %eq3A_36 = arith.constant 1 : i32
      %eq3A_37 = arith.cmpi eq, %arg0, %eq3A_36 : i32
      %convert_element_type3A_38 = arith.extui %eq3A_37 : i1 to i32
      %cond3A_39 = arith.constant 0 : i32
      %cond3A_40 = arith.cmpi ne, %convert_element_type3A_38, %cond3A_39 : i32
      scf.if %cond3A_40 {
        %dma_wait3A = arith.constant 0 : i32
        %dma_wait3A_42 = arith.constant 0 : i32
        %dma_wait3A_43 = tpu.memref_slice %arg4[%dma_wait3A, %dma_wait3A_42] : memref<10000x128xf32, #tpu.memory_space<hbm>> -> memref<10000x128xf32, #tpu.memory_space<hbm>>
        tpu.wait_indirect_dma semaphore(%arg14 : memref<!tpu.dma_semaphore, #tpu.memory_space<semaphore_mem>>) src(%dma_wait3A_43 : memref<10000x128xf32, #tpu.memory_space<hbm>>) dst(%arg9 : memref<80x128xf32, #tpu.memory_space<vmem>>)
        %dma_wait3A_44 = arith.constant 0 : i32
        %dma_wait3A_45 = arith.constant 0 : i32
        %dma_wait3A_46 = tpu.memref_slice %arg4[%dma_wait3A_44, %dma_wait3A_45] : memref<10000x128xf32, #tpu.memory_space<hbm>> -> memref<10000x128xf32, #tpu.memory_space<hbm>>
        tpu.wait_indirect_dma semaphore(%arg15 : memref<!tpu.dma_semaphore, #tpu.memory_space<semaphore_mem>>) src(%dma_wait3A_46 : memref<10000x128xf32, #tpu.memory_space<hbm>>) dst(%arg10 : memref<80x128xf32, #tpu.memory_space<vmem>>)
        %scan3A_47 = arith.constant 0 : i32
        %scan3A_48 = arith.constant 0 : i32
        %scan3A_49 = arith.constant 80 : i32
        %scan3A_50 = arith.addi %scan3A_48, %scan3A_49 : i32
        %scan3A_51 = arith.constant 1 : i32
        %scan3A_52 = scf.for %scan3A_54 = %scan3A_48 to %scan3A_50 step %scan3A_51 iter_args(%scan3A_55 = %scan3A_47) -> (i32)  : i32 {
          %get3A = arith.index_cast %scan3A_54 : i32 to index
          %get3A_56 = arith.constant 0 : index
          %get3A_57 = tpu.vector_load %arg9[%get3A, %get3A_56] {strides = array<i32>} : memref<80x128xf32, #tpu.memory_space<vmem>>, vector<1x16xf32>,
          %get3A_58 = vector.shape_cast %get3A_57 : vector<1x16xf32> to vector<16xf32>
          %get3A_59 = arith.index_cast %scan3A_54 : i32 to index
          %get3A_60 = arith.constant 16 : index
          %get3A_61 = tpu.vector_load %arg10[%get3A_59, %get3A_60] {strides = array<i32>} : memref<80x128xf32, #tpu.memory_space<vmem>>, vector<1x16xf32>,
          %get3A_62 = vector.shape_cast %get3A_61 : vector<1x16xf32> to vector<16xf32>
          %add3A_63 = arith.addf %get3A_58, %get3A_62 : vector<16xf32>
          %mul3A_64 = arith.constant 2.000000e-01 : f32
          %mul3A_65 = vector.broadcast %mul3A_64 : f32 to vector<16xf32>
          %mul3A_66 = arith.mulf %mul3A_65, %add3A_63 : vector<16xf32>
          %max3A = arith.maximumf %add3A_63, %mul3A_66 : vector<16xf32>
          %exp3A = math.exp %max3A : vector<16xf32>
          %swap3A = arith.index_cast %scan3A_54 : i32 to index
          %swap3A_67 = arith.constant 0 : index
          %swap3A_68 = tpu.vector_load %arg12[%swap3A, %swap3A_67] {strides = array<i32>} : memref<80x128xf32, #tpu.memory_space<vmem>>, vector<1x16xf32>,
          %swap3A_69 = vector.shape_cast %swap3A_68 : vector<1x16xf32> to vector<16xf32>
          %swap3A_70 = vector.shape_cast %exp3A : vector<16xf32> to vector<1x16xf32>
          tpu.vector_store %arg12[%swap3A, %swap3A_67], %swap3A_70 {strides = array<i32>} : memref<80x128xf32, #tpu.memory_space<vmem>>, vector<1x16xf32>,
          %scan3A_71 = arith.constant 0 : i32
          scf.yield %scan3A_71 : i32
        }
        %scan3A_53 = arith.constant 80 : i32
      } else {
      }
      "tpu.region"() ({
        %run_scoped3A = tpu.sem_alloc : memref<!tpu.dma_semaphore, #tpu.memory_space<semaphore_mem>>
        %dma_start3A_42 = arith.constant 0 : i32
        %dma_start3A_43 = arith.constant 0 : i32
        %dma_start3A_44 = tpu.memref_slice %arg13[%dma_start3A_42, %dma_start3A_43] : memref<10000x128xf32, #tpu.memory_space<vmem_shared>> -> memref<10000x128xf32, #tpu.memory_space<vmem_shared>>
        tpu.enqueue_indirect_dma source(%arg12 : memref<80x128xf32, #tpu.memory_space<vmem>>) target(%dma_start3A_44 : memref<10000x128xf32, #tpu.memory_space<vmem_shared>>) offsets(%arg8 : memref<80xi32, #tpu.memory_space<vmem>>) semaphore(%run_scoped3A : memref<!tpu.dma_semaphore, #tpu.memory_space<semaphore_mem>>) {add = true}
        %dma_wait3A = arith.constant 0 : i32
        %dma_wait3A_45 = arith.constant 0 : i32
        %dma_wait3A_46 = tpu.memref_slice %arg13[%dma_wait3A, %dma_wait3A_45] : memref<10000x128xf32, #tpu.memory_space<vmem_shared>> -> memref<10000x128xf32, #tpu.memory_space<vmem_shared>>
        tpu.wait_indirect_dma semaphore(%run_scoped3A : memref<!tpu.dma_semaphore, #tpu.memory_space<semaphore_mem>>) src(%arg12 : memref<80x128xf32, #tpu.memory_space<vmem>>) dst(%dma_wait3A_46 : memref<10000x128xf32, #tpu.memory_space<vmem_shared>>)
        tpu.yield
      }) : () -> ()
      %scan3A_41 = arith.constant 0 : i32
      scf.yield %scan3A_41 : i32
    }
    %scan3A_15 = arith.constant 250 : i32
    %barrier3A_16 = arith.constant 0 : index
    tpu.barrier barrier_id(%barrier3A_16)
    %lt3A_17 = arith.constant 10 : i32
    %lt3A_18 = arith.cmpi slt, %arg1, %lt3A_17 : i32
    %convert_element_type3A_19 = arith.extui %lt3A_18 : i1 to i32
    %cond3A_20 = arith.constant 0 : i32
    %cond3A_21 = arith.cmpi ne, %convert_element_type3A_19, %cond3A_20 : i32
    scf.if %cond3A_21 {
      %mul3A = arith.constant 1000 : i32
      %mul3A_22 = arith.muli %arg1, %mul3A : i32
      "tpu.region"() ({
        %run_scoped3A = tpu.sem_alloc : memref<!tpu.dma_semaphore, #tpu.memory_space<semaphore_mem>>
        %dma_start3A = arith.constant 0 : i32
        %dma_start3A_23 = tpu.memref_slice %arg6[%arg0, %mul3A_22, %dma_start3A] : memref<2x10000x128xf32, #tpu.memory_space<hbm>> -> memref<1x1000x128xf32, #tpu.memory_space<hbm>>
        %dma_start3A_24 = tpu.memref_squeeze %dma_start3A_23 : memref<1x1000x128xf32, #tpu.memory_space<hbm>> -> memref<1000x128xf32, #tpu.memory_space<hbm>>
        %dma_start3A_25 = arith.constant 0 : i32
        %dma_start3A_26 = tpu.memref_slice %arg13[%mul3A_22, %dma_start3A_25] : memref<10000x128xf32, #tpu.memory_space<vmem_shared>> -> memref<1000x128xf32, #tpu.memory_space<vmem_shared>>
        tpu.enqueue_dma source(%dma_start3A_26 : memref<1000x128xf32, #tpu.memory_space<vmem_shared>>) target(%dma_start3A_24 : memref<1000x128xf32, #tpu.memory_space<hbm>>) target_semaphore(%run_scoped3A : memref<!tpu.dma_semaphore, #tpu.memory_space<semaphore_mem>>)
        %dma_wait3A = arith.constant 0 : i32
        %dma_wait3A_27 = tpu.memref_slice %arg6[%arg0, %mul3A_22, %dma_wait3A] : memref<2x10000x128xf32, #tpu.memory_space<hbm>> -> memref<1x1000x128xf32, #tpu.memory_space<hbm>>
        %dma_wait3A_28 = tpu.memref_squeeze %dma_wait3A_27 : memref<1x1000x128xf32, #tpu.memory_space<hbm>> -> memref<1000x128xf32, #tpu.memory_space<hbm>>
        %dma_wait3A_29 = arith.constant 0 : i32
        %dma_wait3A_30 = tpu.memref_slice %arg13[%mul3A_22, %dma_wait3A_29] : memref<10000x128xf32, #tpu.memory_space<vmem_shared>> -> memref<1000x128xf32, #tpu.memory_space<vmem_shared>>
        tpu.wait_dma2 semaphore(%run_scoped3A : memref<!tpu.dma_semaphore, #tpu.memory_space<semaphore_mem>>) src(%dma_wait3A_30 : memref<1000x128xf32, #tpu.memory_space<vmem_shared>>) dst(%dma_wait3A_28 : memref<1000x128xf32, #tpu.memory_space<hbm>>)
        tpu.yield
      }) : () -> ()
    } else {
    }
    return
  }
}

#map = affine_map<(d0, d1) -> (0)>
#map1 = affine_map<(d0, d1) -> (0, 0)>
#map2 = affine_map<(d0, d1) -> (0, 0, 0)>
module attributes {stable_mosaic.version = 14 : i64} {
  func.func @k(%arg0: i32, %arg1: i32, %arg2: memref<320000xi32, #tpu.memory_space<hbm>>, %arg3: memref<320000xi32, #tpu.memory_space<hbm>>, %arg4: memref<10000x128xf32, #tpu.memory_space<hbm>>, %arg5: memref<10000x128xf32, #tpu.memory_space<hbm>>, %arg6: memref<2x10000x128xf32, #tpu.memory_space<hbm>>, %arg7: memref<80xi32, #tpu.memory_space<vmem>>, %arg8: memref<80xi32, #tpu.memory_space<vmem>>, %arg9: memref<80x128xf32, #tpu.memory_space<vmem>>, %arg10: memref<80x128xf32, #tpu.memory_space<vmem>>, %arg11: memref<80x128xf32, #tpu.memory_space<vmem>>, %arg12: memref<80x128xf32, #tpu.memory_space<vmem>>, %arg13: memref<10000x128xf32, #tpu.memory_space<vmem_shared>>, %arg14: memref<!tpu.dma_semaphore, #tpu.memory_space<semaphore_mem>>, %arg15: memref<!tpu.dma_semaphore, #tpu.memory_space<semaphore_mem>>, %arg16: memref<!tpu.dma_semaphore, #tpu.memory_space<semaphore_mem>>) attributes {dimension_semantics = [#tpu.dimension_semantics<core_parallel>, #tpu.dimension_semantics<subcore_parallel>], iteration_bounds = array<i64: 2, 16>, scalar_prefetch = 0 : i64, scratch_operands = 10 : i64, tpu.core_type = #tpu.core_type<sc_vector_subcore>, window_params = [{transform_indices = #map}, {transform_indices = #map}, {transform_indices = #map1}, {transform_indices = #map1}, {transform_indices = #map2}]} {
    %broadcast_in_dim3A = arith.constant 0.000000e+00 : f32
    %broadcast_in_dim3A_0 = vector.broadcast %broadcast_in_dim3A : f32 to vector<16xf32>
    %scan3A = arith.constant 0 : i32
    %scan3A_1 = arith.constant 0 : i32
    %scan3A_2 = arith.constant 80 : i32
    %scan3A_3 = arith.addi %scan3A_1, %scan3A_2 : i32
    %scan3A_4 = arith.constant 1 : i32
    %scan3A_5 = scf.for %scan3A_22 = %scan3A_1 to %scan3A_3 step %scan3A_4 iter_args(%scan3A_23 = %scan3A) -> (i32)  : i32 {
      %swap3A = arith.index_cast %scan3A_22 : i32 to index
      %swap3A_24 = arith.constant 0 : index
      %swap3A_25 = tpu.vector_load %arg12[%swap3A, %swap3A_24] {strides = array<i32>} : memref<80x128xf32, #tpu.memory_space<vmem>>, vector<1x16xf32>,
      %swap3A_26 = vector.shape_cast %swap3A_25 : vector<1x16xf32> to vector<16xf32>
      %swap3A_27 = vector.shape_cast %broadcast_in_dim3A_0 : vector<16xf32> to vector<1x16xf32>
      tpu.vector_store %arg12[%swap3A, %swap3A_24], %swap3A_27 {strides = array<i32>} : memref<80x128xf32, #tpu.memory_space<vmem>>, vector<1x16xf32>,
      %swap3A_28 = arith.index_cast %scan3A_22 : i32 to index
      %swap3A_29 = arith.constant 16 : index
      %swap3A_30 = tpu.vector_load %arg12[%swap3A_28, %swap3A_29] {strides = array<i32>} : memref<80x128xf32, #tpu.memory_space<vmem>>, vector<1x16xf32>,
      %swap3A_31 = vector.shape_cast %swap3A_30 : vector<1x16xf32> to vector<16xf32>
      %swap3A_32 = vector.shape_cast %broadcast_in_dim3A_0 : vector<16xf32> to vector<1x16xf32>
      tpu.vector_store %arg12[%swap3A_28, %swap3A_29], %swap3A_32 {strides = array<i32>} : memref<80x128xf32, #tpu.memory_space<vmem>>, vector<1x16xf32>,
      %swap3A_33 = arith.index_cast %scan3A_22 : i32 to index
      %swap3A_34 = arith.constant 32 : index
      %swap3A_35 = tpu.vector_load %arg12[%swap3A_33, %swap3A_34] {strides = array<i32>} : memref<80x128xf32, #tpu.memory_space<vmem>>, vector<1x16xf32>,
      %swap3A_36 = vector.shape_cast %swap3A_35 : vector<1x16xf32> to vector<16xf32>
      %swap3A_37 = vector.shape_cast %broadcast_in_dim3A_0 : vector<16xf32> to vector<1x16xf32>
      tpu.vector_store %arg12[%swap3A_33, %swap3A_34], %swap3A_37 {strides = array<i32>} : memref<80x128xf32, #tpu.memory_space<vmem>>, vector<1x16xf32>,
      %swap3A_38 = arith.index_cast %scan3A_22 : i32 to index
      %swap3A_39 = arith.constant 48 : index
      %swap3A_40 = tpu.vector_load %arg12[%swap3A_38, %swap3A_39] {strides = array<i32>} : memref<80x128xf32, #tpu.memory_space<vmem>>, vector<1x16xf32>,
      %swap3A_41 = vector.shape_cast %swap3A_40 : vector<1x16xf32> to vector<16xf32>
      %swap3A_42 = vector.shape_cast %broadcast_in_dim3A_0 : vector<16xf32> to vector<1x16xf32>
      tpu.vector_store %arg12[%swap3A_38, %swap3A_39], %swap3A_42 {strides = array<i32>} : memref<80x128xf32, #tpu.memory_space<vmem>>, vector<1x16xf32>,
      %swap3A_43 = arith.index_cast %scan3A_22 : i32 to index
      %swap3A_44 = arith.constant 64 : index
      %swap3A_45 = tpu.vector_load %arg12[%swap3A_43, %swap3A_44] {strides = array<i32>} : memref<80x128xf32, #tpu.memory_space<vmem>>, vector<1x16xf32>,
      %swap3A_46 = vector.shape_cast %swap3A_45 : vector<1x16xf32> to vector<16xf32>
      %swap3A_47 = vector.shape_cast %broadcast_in_dim3A_0 : vector<16xf32> to vector<1x16xf32>
      tpu.vector_store %arg12[%swap3A_43, %swap3A_44], %swap3A_47 {strides = array<i32>} : memref<80x128xf32, #tpu.memory_space<vmem>>, vector<1x16xf32>,
      %swap3A_48 = arith.index_cast %scan3A_22 : i32 to index
      %swap3A_49 = arith.constant 80 : index
      %swap3A_50 = tpu.vector_load %arg12[%swap3A_48, %swap3A_49] {strides = array<i32>} : memref<80x128xf32, #tpu.memory_space<vmem>>, vector<1x16xf32>,
      %swap3A_51 = vector.shape_cast %swap3A_50 : vector<1x16xf32> to vector<16xf32>
      %swap3A_52 = vector.shape_cast %broadcast_in_dim3A_0 : vector<16xf32> to vector<1x16xf32>
      tpu.vector_store %arg12[%swap3A_48, %swap3A_49], %swap3A_52 {strides = array<i32>} : memref<80x128xf32, #tpu.memory_space<vmem>>, vector<1x16xf32>,
      %swap3A_53 = arith.index_cast %scan3A_22 : i32 to index
      %swap3A_54 = arith.constant 96 : index
      %swap3A_55 = tpu.vector_load %arg12[%swap3A_53, %swap3A_54] {strides = array<i32>} : memref<80x128xf32, #tpu.memory_space<vmem>>, vector<1x16xf32>,
      %swap3A_56 = vector.shape_cast %swap3A_55 : vector<1x16xf32> to vector<16xf32>
      %swap3A_57 = vector.shape_cast %broadcast_in_dim3A_0 : vector<16xf32> to vector<1x16xf32>
      tpu.vector_store %arg12[%swap3A_53, %swap3A_54], %swap3A_57 {strides = array<i32>} : memref<80x128xf32, #tpu.memory_space<vmem>>, vector<1x16xf32>,
      %swap3A_58 = arith.index_cast %scan3A_22 : i32 to index
      %swap3A_59 = arith.constant 112 : index
      %swap3A_60 = tpu.vector_load %arg12[%swap3A_58, %swap3A_59] {strides = array<i32>} : memref<80x128xf32, #tpu.memory_space<vmem>>, vector<1x16xf32>,
      %swap3A_61 = vector.shape_cast %swap3A_60 : vector<1x16xf32> to vector<16xf32>
      %swap3A_62 = vector.shape_cast %broadcast_in_dim3A_0 : vector<16xf32> to vector<1x16xf32>
      tpu.vector_store %arg12[%swap3A_58, %swap3A_59], %swap3A_62 {strides = array<i32>} : memref<80x128xf32, #tpu.memory_space<vmem>>, vector<1x16xf32>,
      %scan3A_63 = arith.constant 0 : i32
      scf.yield %scan3A_63 : i32
    }
    %scan3A_6 = arith.constant 80 : i32
    %lt3A = arith.constant 10 : i32
    %lt3A_7 = arith.cmpi slt, %arg1, %lt3A : i32
    %convert_element_type3A = arith.extui %lt3A_7 : i1 to i32
    %cond3A = arith.constant 0 : i32
    %cond3A_8 = arith.cmpi ne, %convert_element_type3A, %cond3A : i32
    scf.if %cond3A_8 {
      %scan3A_22 = arith.constant 0 : i32
      %scan3A_23 = arith.constant 0 : i32
      %scan3A_24 = arith.constant 12 : i32
      %scan3A_25 = arith.addi %scan3A_23, %scan3A_24 : i32
      %scan3A_26 = arith.constant 1 : i32
      %scan3A_27 = scf.for %scan3A_31 = %scan3A_23 to %scan3A_25 step %scan3A_26 iter_args(%scan3A_32 = %scan3A_22) -> (i32)  : i32 {
        %mul3A_33 = arith.constant 1000 : i32
        %mul3A_34 = arith.muli %arg1, %mul3A_33 : i32
        %mul3A_35 = arith.constant 80 : i32
        %mul3A_36 = arith.muli %scan3A_31, %mul3A_35 : i32
        %add3A_37 = arith.addi %mul3A_34, %mul3A_36 : i32
        "tpu.region"() ({
          %run_scoped3A = tpu.sem_alloc : memref<!tpu.dma_semaphore, #tpu.memory_space<semaphore_mem>>
          %dma_start3A = arith.constant 0 : i32
          %dma_start3A_39 = arith.constant 0 : i32
          %dma_start3A_40 = tpu.memref_slice %arg12[%dma_start3A, %dma_start3A_39] : memref<80x128xf32, #tpu.memory_space<vmem>> -> memref<80x128xf32, #tpu.memory_space<vmem>>
          %dma_start3A_41 = arith.constant 0 : i32
          %dma_start3A_42 = tpu.memref_slice %arg13[%add3A_37, %dma_start3A_41] : memref<10000x128xf32, #tpu.memory_space<vmem_shared>> -> memref<80x128xf32, #tpu.memory_space<vmem_shared>>
          %dma_start3A_43 = arith.constant 0 : i32
          %dma_start3A_44 = tpu.memref_slice %arg13[%add3A_37, %dma_start3A_43] : memref<10000x128xf32, #tpu.memory_space<vmem_shared>> -> memref<80x128xf32, #tpu.memory_space<vmem_shared>>
          %dma_start3A_45 = arith.constant 0 : i32
          %dma_start3A_46 = arith.constant 0 : i32
          %dma_start3A_47 = tpu.memref_slice %arg12[%dma_start3A_45, %dma_start3A_46] : memref<80x128xf32, #tpu.memory_space<vmem>> -> memref<80x128xf32, #tpu.memory_space<vmem>>
          tpu.enqueue_dma source(%dma_start3A_47 : memref<80x128xf32, #tpu.memory_space<vmem>>) target(%dma_start3A_44 : memref<80x128xf32, #tpu.memory_space<vmem_shared>>) target_semaphore(%run_scoped3A : memref<!tpu.dma_semaphore, #tpu.memory_space<semaphore_mem>>)
          %dma_wait3A = arith.constant 0 : i32
          %dma_wait3A_48 = arith.constant 0 : i32
          %dma_wait3A_49 = tpu.memref_slice %arg12[%dma_wait3A, %dma_wait3A_48] : memref<80x128xf32, #tpu.memory_space<vmem>> -> memref<80x128xf32, #tpu.memory_space<vmem>>
          %dma_wait3A_50 = arith.constant 0 : i32
          %dma_wait3A_51 = tpu.memref_slice %arg13[%add3A_37, %dma_wait3A_50] : memref<10000x128xf32, #tpu.memory_space<vmem_shared>> -> memref<80x128xf32, #tpu.memory_space<vmem_shared>>
          %dma_wait3A_52 = arith.constant 0 : i32
          %dma_wait3A_53 = tpu.memref_slice %arg13[%add3A_37, %dma_wait3A_52] : memref<10000x128xf32, #tpu.memory_space<vmem_shared>> -> memref<80x128xf32, #tpu.memory_space<vmem_shared>>
          %dma_wait3A_54 = arith.constant 0 : i32
          %dma_wait3A_55 = arith.constant 0 : i32
          %dma_wait3A_56 = tpu.memref_slice %arg12[%dma_wait3A_54, %dma_wait3A_55] : memref<80x128xf32, #tpu.memory_space<vmem>> -> memref<80x128xf32, #tpu.memory_space<vmem>>
          tpu.wait_dma2 semaphore(%run_scoped3A : memref<!tpu.dma_semaphore, #tpu.memory_space<semaphore_mem>>) src(%dma_wait3A_56 : memref<80x128xf32, #tpu.memory_space<vmem>>) dst(%dma_wait3A_53 : memref<80x128xf32, #tpu.memory_space<vmem_shared>>)
          tpu.yield
        }) : () -> ()
        %scan3A_38 = arith.constant 0 : i32
        scf.yield %scan3A_38 : i32
      }
      %scan3A_28 = arith.constant 12 : i32
      %mul3A = arith.constant 1000 : i32
      %mul3A_29 = arith.muli %arg1, %mul3A : i32
      %add3A = arith.constant 960 : i32
      %add3A_30 = arith.addi %mul3A_29, %add3A : i32
      "tpu.region"() ({
        %run_scoped3A = tpu.sem_alloc : memref<!tpu.dma_semaphore, #tpu.memory_space<semaphore_mem>>
        %dma_start3A = arith.constant 0 : i32
        %dma_start3A_31 = arith.constant 0 : i32
        %dma_start3A_32 = tpu.memref_slice %arg12[%dma_start3A, %dma_start3A_31] : memref<80x128xf32, #tpu.memory_space<vmem>> -> memref<40x128xf32, #tpu.memory_space<vmem>>
        %dma_start3A_33 = arith.constant 0 : i32
        %dma_start3A_34 = tpu.memref_slice %arg13[%add3A_30, %dma_start3A_33] : memref<10000x128xf32, #tpu.memory_space<vmem_shared>> -> memref<40x128xf32, #tpu.memory_space<vmem_shared>>
        %dma_start3A_35 = arith.constant 0 : i32
        %dma_start3A_36 = tpu.memref_slice %arg13[%add3A_30, %dma_start3A_35] : memref<10000x128xf32, #tpu.memory_space<vmem_shared>> -> memref<40x128xf32, #tpu.memory_space<vmem_shared>>
        %dma_start3A_37 = arith.constant 0 : i32
        %dma_start3A_38 = arith.constant 0 : i32
        %dma_start3A_39 = tpu.memref_slice %arg12[%dma_start3A_37, %dma_start3A_38] : memref<80x128xf32, #tpu.memory_space<vmem>> -> memref<40x128xf32, #tpu.memory_space<vmem>>
        tpu.enqueue_dma source(%dma_start3A_39 : memref<40x128xf32, #tpu.memory_space<vmem>>) target(%dma_start3A_36 : memref<40x128xf32, #tpu.memory_space<vmem_shared>>) target_semaphore(%run_scoped3A : memref<!tpu.dma_semaphore, #tpu.memory_space<semaphore_mem>>)
        %dma_wait3A = arith.constant 0 : i32
        %dma_wait3A_40 = arith.constant 0 : i32
        %dma_wait3A_41 = tpu.memref_slice %arg12[%dma_wait3A, %dma_wait3A_40] : memref<80x128xf32, #tpu.memory_space<vmem>> -> memref<40x128xf32, #tpu.memory_space<vmem>>
        %dma_wait3A_42 = arith.constant 0 : i32
        %dma_wait3A_43 = tpu.memref_slice %arg13[%add3A_30, %dma_wait3A_42] : memref<10000x128xf32, #tpu.memory_space<vmem_shared>> -> memref<40x128xf32, #tpu.memory_space<vmem_shared>>
        %dma_wait3A_44 = arith.constant 0 : i32
        %dma_wait3A_45 = tpu.memref_slice %arg13[%add3A_30, %dma_wait3A_44] : memref<10000x128xf32, #tpu.memory_space<vmem_shared>> -> memref<40x128xf32, #tpu.memory_space<vmem_shared>>
        %dma_wait3A_46 = arith.constant 0 : i32
        %dma_wait3A_47 = arith.constant 0 : i32
        %dma_wait3A_48 = tpu.memref_slice %arg12[%dma_wait3A_46, %dma_wait3A_47] : memref<80x128xf32, #tpu.memory_space<vmem>> -> memref<40x128xf32, #tpu.memory_space<vmem>>
        tpu.wait_dma2 semaphore(%run_scoped3A : memref<!tpu.dma_semaphore, #tpu.memory_space<semaphore_mem>>) src(%dma_wait3A_48 : memref<40x128xf32, #tpu.memory_space<vmem>>) dst(%dma_wait3A_45 : memref<40x128xf32, #tpu.memory_space<vmem_shared>>)
        tpu.yield
      }) : () -> ()
    } else {
    }
    %barrier3A = arith.constant 0 : index
    tpu.barrier barrier_id(%barrier3A)
    %scan3A_9 = arith.constant 0 : i32
    %scan3A_10 = arith.constant 0 : i32
    %scan3A_11 = arith.constant 250 : i32
    %scan3A_12 = arith.addi %scan3A_10, %scan3A_11 : i32
    %scan3A_13 = arith.constant 1 : i32
    %scan3A_14 = scf.for %scan3A_22 = %scan3A_10 to %scan3A_12 step %scan3A_13 iter_args(%scan3A_23 = %scan3A_9) -> (i32)  : i32 {
      %mul3A = arith.constant 20000 : i32
      %mul3A_24 = arith.muli %arg1, %mul3A : i32
      %mul3A_25 = arith.constant 80 : i32
      %mul3A_26 = arith.muli %scan3A_22, %mul3A_25 : i32
      %add3A = arith.addi %mul3A_24, %mul3A_26 : i32
      "tpu.region"() ({
        %run_scoped3A = tpu.sem_alloc : memref<!tpu.dma_semaphore, #tpu.memory_space<semaphore_mem>>
        %dma_start3A_42 = tpu.memref_slice %arg2[%add3A] : memref<320000xi32, #tpu.memory_space<hbm>> -> memref<80xi32, #tpu.memory_space<hbm>>
        %dma_start3A_43 = tpu.memref_slice %arg2[%add3A] : memref<320000xi32, #tpu.memory_space<hbm>> -> memref<80xi32, #tpu.memory_space<hbm>>
        tpu.enqueue_dma source(%dma_start3A_43 : memref<80xi32, #tpu.memory_space<hbm>>) target(%arg7 : memref<80xi32, #tpu.memory_space<vmem>>) target_semaphore(%run_scoped3A : memref<!tpu.dma_semaphore, #tpu.memory_space<semaphore_mem>>)
        %dma_wait3A = tpu.memref_slice %arg2[%add3A] : memref<320000xi32, #tpu.memory_space<hbm>> -> memref<80xi32, #tpu.memory_space<hbm>>
        %dma_wait3A_44 = tpu.memref_slice %arg2[%add3A] : memref<320000xi32, #tpu.memory_space<hbm>> -> memref<80xi32, #tpu.memory_space<hbm>>
        tpu.wait_dma2 semaphore(%run_scoped3A : memref<!tpu.dma_semaphore, #tpu.memory_space<semaphore_mem>>) src(%dma_wait3A_44 : memref<80xi32, #tpu.memory_space<hbm>>) dst(%arg7 : memref<80xi32, #tpu.memory_space<vmem>>)
        tpu.yield
      }) : () -> ()
      "tpu.region"() ({
        %run_scoped3A = tpu.sem_alloc : memref<!tpu.dma_semaphore, #tpu.memory_space<semaphore_mem>>
        %dma_start3A_42 = tpu.memref_slice %arg3[%add3A] : memref<320000xi32, #tpu.memory_space<hbm>> -> memref<80xi32, #tpu.memory_space<hbm>>
        %dma_start3A_43 = tpu.memref_slice %arg3[%add3A] : memref<320000xi32, #tpu.memory_space<hbm>> -> memref<80xi32, #tpu.memory_space<hbm>>
        tpu.enqueue_dma source(%dma_start3A_43 : memref<80xi32, #tpu.memory_space<hbm>>) target(%arg8 : memref<80xi32, #tpu.memory_space<vmem>>) target_semaphore(%run_scoped3A : memref<!tpu.dma_semaphore, #tpu.memory_space<semaphore_mem>>)
        %dma_wait3A = tpu.memref_slice %arg3[%add3A] : memref<320000xi32, #tpu.memory_space<hbm>> -> memref<80xi32, #tpu.memory_space<hbm>>
        %dma_wait3A_44 = tpu.memref_slice %arg3[%add3A] : memref<320000xi32, #tpu.memory_space<hbm>> -> memref<80xi32, #tpu.memory_space<hbm>>
        tpu.wait_dma2 semaphore(%run_scoped3A : memref<!tpu.dma_semaphore, #tpu.memory_space<semaphore_mem>>) src(%dma_wait3A_44 : memref<80xi32, #tpu.memory_space<hbm>>) dst(%arg8 : memref<80xi32, #tpu.memory_space<vmem>>)
        tpu.yield
      }) : () -> ()
      %dma_start3A = arith.constant 0 : i32
      %dma_start3A_27 = arith.constant 0 : i32
      %dma_start3A_28 = tpu.memref_slice %arg4[%dma_start3A, %dma_start3A_27] : memref<10000x128xf32, #tpu.memory_space<hbm>> -> memref<10000x128xf32, #tpu.memory_space<hbm>>
      tpu.enqueue_indirect_dma source(%dma_start3A_28 : memref<10000x128xf32, #tpu.memory_space<hbm>>) target(%arg9 : memref<80x128xf32, #tpu.memory_space<vmem>>) offsets(%arg7 : memref<80xi32, #tpu.memory_space<vmem>>) semaphore(%arg14 : memref<!tpu.dma_semaphore, #tpu.memory_space<semaphore_mem>>)
      %dma_start3A_29 = arith.constant 0 : i32
      %dma_start3A_30 = arith.constant 0 : i32
      %dma_start3A_31 = tpu.memref_slice %arg4[%dma_start3A_29, %dma_start3A_30] : memref<10000x128xf32, #tpu.memory_space<hbm>> -> memref<10000x128xf32, #tpu.memory_space<hbm>>
      tpu.enqueue_indirect_dma source(%dma_start3A_31 : memref<10000x128xf32, #tpu.memory_space<hbm>>) target(%arg10 : memref<80x128xf32, #tpu.memory_space<vmem>>) offsets(%arg8 : memref<80xi32, #tpu.memory_space<vmem>>) semaphore(%arg15 : memref<!tpu.dma_semaphore, #tpu.memory_space<semaphore_mem>>)
      %eq3A = arith.constant 0 : i32
      %eq3A_32 = arith.cmpi eq, %arg0, %eq3A : i32
      %convert_element_type3A_33 = arith.extui %eq3A_32 : i1 to i32
      %cond3A_34 = arith.constant 0 : i32
      %cond3A_35 = arith.cmpi ne, %convert_element_type3A_33, %cond3A_34 : i32
      scf.if %cond3A_35 {
        %dma_start3A_42 = arith.constant 0 : i32
        %dma_start3A_43 = arith.constant 0 : i32
        %dma_start3A_44 = tpu.memref_slice %arg5[%dma_start3A_42, %dma_start3A_43] : memref<10000x128xf32, #tpu.memory_space<hbm>> -> memref<10000x128xf32, #tpu.memory_space<hbm>>
        tpu.enqueue_indirect_dma source(%dma_start3A_44 : memref<10000x128xf32, #tpu.memory_space<hbm>>) target(%arg11 : memref<80x128xf32, #tpu.memory_space<vmem>>) offsets(%arg7 : memref<80xi32, #tpu.memory_space<vmem>>) semaphore(%arg16 : memref<!tpu.dma_semaphore, #tpu.memory_space<semaphore_mem>>)
        %dma_wait3A = arith.constant 0 : i32
        %dma_wait3A_45 = arith.constant 0 : i32
        %dma_wait3A_46 = tpu.memref_slice %arg4[%dma_wait3A, %dma_wait3A_45] : memref<10000x128xf32, #tpu.memory_space<hbm>> -> memref<10000x128xf32, #tpu.memory_space<hbm>>
        tpu.wait_indirect_dma semaphore(%arg14 : memref<!tpu.dma_semaphore, #tpu.memory_space<semaphore_mem>>) src(%dma_wait3A_46 : memref<10000x128xf32, #tpu.memory_space<hbm>>) dst(%arg9 : memref<80x128xf32, #tpu.memory_space<vmem>>)
        %dma_wait3A_47 = arith.constant 0 : i32
        %dma_wait3A_48 = arith.constant 0 : i32
        %dma_wait3A_49 = tpu.memref_slice %arg4[%dma_wait3A_47, %dma_wait3A_48] : memref<10000x128xf32, #tpu.memory_space<hbm>> -> memref<10000x128xf32, #tpu.memory_space<hbm>>
        tpu.wait_indirect_dma semaphore(%arg15 : memref<!tpu.dma_semaphore, #tpu.memory_space<semaphore_mem>>) src(%dma_wait3A_49 : memref<10000x128xf32, #tpu.memory_space<hbm>>) dst(%arg10 : memref<80x128xf32, #tpu.memory_space<vmem>>)
        %dma_wait3A_50 = arith.constant 0 : i32
        %dma_wait3A_51 = arith.constant 0 : i32
        %dma_wait3A_52 = tpu.memref_slice %arg5[%dma_wait3A_50, %dma_wait3A_51] : memref<10000x128xf32, #tpu.memory_space<hbm>> -> memref<10000x128xf32, #tpu.memory_space<hbm>>
        tpu.wait_indirect_dma semaphore(%arg16 : memref<!tpu.dma_semaphore, #tpu.memory_space<semaphore_mem>>) src(%dma_wait3A_52 : memref<10000x128xf32, #tpu.memory_space<hbm>>) dst(%arg11 : memref<80x128xf32, #tpu.memory_space<vmem>>)
        %scan3A_53 = arith.constant 0 : i32
        %scan3A_54 = arith.constant 0 : i32
        %scan3A_55 = arith.constant 80 : i32
        %scan3A_56 = arith.addi %scan3A_54, %scan3A_55 : i32
        %scan3A_57 = arith.constant 1 : i32
        %scan3A_58 = scf.for %scan3A_60 = %scan3A_54 to %scan3A_56 step %scan3A_57 iter_args(%scan3A_61 = %scan3A_53) -> (i32)  : i32 {
          %get3A = arith.index_cast %scan3A_60 : i32 to index
          %get3A_62 = arith.constant 0 : index
          %get3A_63 = tpu.vector_load %arg9[%get3A, %get3A_62] {strides = array<i32>} : memref<80x128xf32, #tpu.memory_space<vmem>>, vector<1x16xf32>,
          %get3A_64 = vector.shape_cast %get3A_63 : vector<1x16xf32> to vector<16xf32>
          %get3A_65 = arith.index_cast %scan3A_60 : i32 to index
          %get3A_66 = arith.constant 16 : index
          %get3A_67 = tpu.vector_load %arg10[%get3A_65, %get3A_66] {strides = array<i32>} : memref<80x128xf32, #tpu.memory_space<vmem>>, vector<1x16xf32>,
          %get3A_68 = vector.shape_cast %get3A_67 : vector<1x16xf32> to vector<16xf32>
          %add3A_69 = arith.addf %get3A_64, %get3A_68 : vector<16xf32>
          %mul3A_70 = arith.constant 2.000000e-01 : f32
          %mul3A_71 = vector.broadcast %mul3A_70 : f32 to vector<16xf32>
          %mul3A_72 = arith.mulf %mul3A_71, %add3A_69 : vector<16xf32>
          %max3A = arith.maximumf %add3A_69, %mul3A_72 : vector<16xf32>
          %exp3A = math.exp %max3A : vector<16xf32>
          %get3A_73 = arith.index_cast %scan3A_60 : i32 to index
          %get3A_74 = arith.constant 0 : index
          %get3A_75 = tpu.vector_load %arg11[%get3A_73, %get3A_74] {strides = array<i32>} : memref<80x128xf32, #tpu.memory_space<vmem>>, vector<1x16xf32>,
          %get3A_76 = vector.shape_cast %get3A_75 : vector<1x16xf32> to vector<16xf32>
          %mul3A_77 = arith.mulf %get3A_76, %exp3A : vector<16xf32>
          %swap3A = arith.index_cast %scan3A_60 : i32 to index
          %swap3A_78 = arith.constant 0 : index
          %swap3A_79 = tpu.vector_load %arg12[%swap3A, %swap3A_78] {strides = array<i32>} : memref<80x128xf32, #tpu.memory_space<vmem>>, vector<1x16xf32>,
          %swap3A_80 = vector.shape_cast %swap3A_79 : vector<1x16xf32> to vector<16xf32>
          %swap3A_81 = vector.shape_cast %mul3A_77 : vector<16xf32> to vector<1x16xf32>
          tpu.vector_store %arg12[%swap3A, %swap3A_78], %swap3A_81 {strides = array<i32>} : memref<80x128xf32, #tpu.memory_space<vmem>>, vector<1x16xf32>,
          %scan3A_82 = arith.constant 0 : i32
          scf.yield %scan3A_82 : i32
        }
        %scan3A_59 = arith.constant 80 : i32
      } else {
      }
      %eq3A_36 = arith.constant 1 : i32
      %eq3A_37 = arith.cmpi eq, %arg0, %eq3A_36 : i32
      %convert_element_type3A_38 = arith.extui %eq3A_37 : i1 to i32
      %cond3A_39 = arith.constant 0 : i32
      %cond3A_40 = arith.cmpi ne, %convert_element_type3A_38, %cond3A_39 : i32
      scf.if %cond3A_40 {
        %dma_wait3A = arith.constant 0 : i32
        %dma_wait3A_42 = arith.constant 0 : i32
        %dma_wait3A_43 = tpu.memref_slice %arg4[%dma_wait3A, %dma_wait3A_42] : memref<10000x128xf32, #tpu.memory_space<hbm>> -> memref<10000x128xf32, #tpu.memory_space<hbm>>
        tpu.wait_indirect_dma semaphore(%arg14 : memref<!tpu.dma_semaphore, #tpu.memory_space<semaphore_mem>>) src(%dma_wait3A_43 : memref<10000x128xf32, #tpu.memory_space<hbm>>) dst(%arg9 : memref<80x128xf32, #tpu.memory_space<vmem>>)
        %dma_wait3A_44 = arith.constant 0 : i32
        %dma_wait3A_45 = arith.constant 0 : i32
        %dma_wait3A_46 = tpu.memref_slice %arg4[%dma_wait3A_44, %dma_wait3A_45] : memref<10000x128xf32, #tpu.memory_space<hbm>> -> memref<10000x128xf32, #tpu.memory_space<hbm>>
        tpu.wait_indirect_dma semaphore(%arg15 : memref<!tpu.dma_semaphore, #tpu.memory_space<semaphore_mem>>) src(%dma_wait3A_46 : memref<10000x128xf32, #tpu.memory_space<hbm>>) dst(%arg10 : memref<80x128xf32, #tpu.memory_space<vmem>>)
        %scan3A_47 = arith.constant 0 : i32
        %scan3A_48 = arith.constant 0 : i32
        %scan3A_49 = arith.constant 80 : i32
        %scan3A_50 = arith.addi %scan3A_48, %scan3A_49 : i32
        %scan3A_51 = arith.constant 1 : i32
        %scan3A_52 = scf.for %scan3A_54 = %scan3A_48 to %scan3A_50 step %scan3A_51 iter_args(%scan3A_55 = %scan3A_47) -> (i32)  : i32 {
          %get3A = arith.index_cast %scan3A_54 : i32 to index
          %get3A_56 = arith.constant 0 : index
          %get3A_57 = tpu.vector_load %arg9[%get3A, %get3A_56] {strides = array<i32>} : memref<80x128xf32, #tpu.memory_space<vmem>>, vector<1x16xf32>,
          %get3A_58 = vector.shape_cast %get3A_57 : vector<1x16xf32> to vector<16xf32>
          %get3A_59 = arith.index_cast %scan3A_54 : i32 to index
          %get3A_60 = arith.constant 16 : index
          %get3A_61 = tpu.vector_load %arg10[%get3A_59, %get3A_60] {strides = array<i32>} : memref<80x128xf32, #tpu.memory_space<vmem>>, vector<1x16xf32>,
          %get3A_62 = vector.shape_cast %get3A_61 : vector<1x16xf32> to vector<16xf32>
          %add3A_63 = arith.addf %get3A_58, %get3A_62 : vector<16xf32>
          %mul3A_64 = arith.constant 2.000000e-01 : f32
          %mul3A_65 = vector.broadcast %mul3A_64 : f32 to vector<16xf32>
          %mul3A_66 = arith.mulf %mul3A_65, %add3A_63 : vector<16xf32>
          %max3A = arith.maximumf %add3A_63, %mul3A_66 : vector<16xf32>
          %exp3A = math.exp %max3A : vector<16xf32>
          %swap3A = arith.index_cast %scan3A_54 : i32 to index
          %swap3A_67 = arith.constant 0 : index
          %swap3A_68 = tpu.vector_load %arg12[%swap3A, %swap3A_67] {strides = array<i32>} : memref<80x128xf32, #tpu.memory_space<vmem>>, vector<1x16xf32>,
          %swap3A_69 = vector.shape_cast %swap3A_68 : vector<1x16xf32> to vector<16xf32>
          %swap3A_70 = vector.shape_cast %exp3A : vector<16xf32> to vector<1x16xf32>
          tpu.vector_store %arg12[%swap3A, %swap3A_67], %swap3A_70 {strides = array<i32>} : memref<80x128xf32, #tpu.memory_space<vmem>>, vector<1x16xf32>,
          %scan3A_71 = arith.constant 0 : i32
          scf.yield %scan3A_71 : i32
        }
        %scan3A_53 = arith.constant 80 : i32
      } else {
      }
      "tpu.region"() ({
        %run_scoped3A = tpu.sem_alloc : memref<!tpu.dma_semaphore, #tpu.memory_space<semaphore_mem>>
        %dma_start3A_42 = arith.constant 0 : i32
        %dma_start3A_43 = arith.constant 0 : i32
        %dma_start3A_44 = tpu.memref_slice %arg13[%dma_start3A_42, %dma_start3A_43] : memref<10000x128xf32, #tpu.memory_space<vmem_shared>> -> memref<10000x128xf32, #tpu.memory_space<vmem_shared>>
        tpu.enqueue_indirect_dma source(%arg12 : memref<80x128xf32, #tpu.memory_space<vmem>>) target(%dma_start3A_44 : memref<10000x128xf32, #tpu.memory_space<vmem_shared>>) offsets(%arg8 : memref<80xi32, #tpu.memory_space<vmem>>) semaphore(%run_scoped3A : memref<!tpu.dma_semaphore, #tpu.memory_space<semaphore_mem>>) {add = true}
        %dma_wait3A = arith.constant 0 : i32
        %dma_wait3A_45 = arith.constant 0 : i32
        %dma_wait3A_46 = tpu.memref_slice %arg13[%dma_wait3A, %dma_wait3A_45] : memref<10000x128xf32, #tpu.memory_space<vmem_shared>> -> memref<10000x128xf32, #tpu.memory_space<vmem_shared>>
        tpu.wait_indirect_dma semaphore(%run_scoped3A : memref<!tpu.dma_semaphore, #tpu.memory_space<semaphore_mem>>) src(%arg12 : memref<80x128xf32, #tpu.memory_space<vmem>>) dst(%dma_wait3A_46 : memref<10000x128xf32, #tpu.memory_space<vmem_shared>>)
        tpu.yield
      }) : () -> ()
      %scan3A_41 = arith.constant 0 : i32
      scf.yield %scan3A_41 : i32
    }
    %scan3A_15 = arith.constant 250 : i32
    %barrier3A_16 = arith.constant 0 : index
    tpu.barrier barrier_id(%barrier3A_16)
    %lt3A_17 = arith.constant 10 : i32
    %lt3A_18 = arith.cmpi slt, %arg1, %lt3A_17 : i32
    %convert_element_type3A_19 = arith.extui %lt3A_18 : i1 to i32
    %cond3A_20 = arith.constant 0 : i32
    %cond3A_21 = arith.cmpi ne, %convert_element_type3A_19, %cond3A_20 : i32
    scf.if %cond3A_21 {
      %mul3A = arith.constant 1000 : i32
      %mul3A_22 = arith.muli %arg1, %mul3A : i32
      "tpu.region"() ({
        %run_scoped3A = tpu.sem_alloc : memref<!tpu.dma_semaphore, #tpu.memory_space<semaphore_mem>>
        %dma_start3A = arith.constant 0 : i32
        %dma_start3A_23 = tpu.memref_slice %arg6[%arg0, %mul3A_22, %dma_start3A] : memref<2x10000x128xf32, #tpu.memory_space<hbm>> -> memref<1x1000x128xf32, #tpu.memory_space<hbm>>
        %dma_start3A_24 = tpu.memref_squeeze %dma_start3A_23 : memref<1x1000x128xf32, #tpu.memory_space<hbm>> -> memref<1000x128xf32, #tpu.memory_space<hbm>>
        %dma_start3A_25 = arith.constant 0 : i32
        %dma_start3A_26 = tpu.memref_slice %arg13[%mul3A_22, %dma_start3A_25] : memref<10000x128xf32, #tpu.memory_space<vmem_shared>> -> memref<1000x128xf32, #tpu.memory_space<vmem_shared>>
        tpu.enqueue_dma source(%dma_start3A_26 : memref<1000x128xf32, #tpu.memory_space<vmem_shared>>) target(%dma_start3A_24 : memref<1000x128xf32, #tpu.memory_space<hbm>>) target_semaphore(%run_scoped3A : memref<!tpu.dma_semaphore, #tpu.memory_space<semaphore_mem>>)
        %dma_wait3A = arith.constant 0 : i32
        %dma_wait3A_27 = tpu.memref_slice %arg6[%arg0, %mul3A_22, %dma_wait3A] : memref<2x10000x128xf32, #tpu.memory_space<hbm>> -> memref<1x1000x128xf32, #tpu.memory_space<hbm>>
        %dma_wait3A_28 = tpu.memref_squeeze %dma_wait3A_27 : memref<1x1000x128xf32, #tpu.memory_space<hbm>> -> memref<1000x128xf32, #tpu.memory_space<hbm>>
        %dma_wait3A_29 = arith.constant 0 : i32
        %dma_wait3A_30 = tpu.memref_slice %arg13[%mul3A_22, %dma_wait3A_29] : memref<10000x128xf32, #tpu.memory_space<vmem_shared>> -> memref<1000x128xf32, #tpu.memory_space<vmem_shared>>
        tpu.wait_dma2 semaphore(%run_scoped3A : memref<!tpu.dma_semaphore, #tpu.memory_space<semaphore_mem>>) src(%dma_wait3A_30 : memref<1000x128xf32, #tpu.memory_space<vmem_shared>>) dst(%dma_wait3A_28 : memref<1000x128xf32, #tpu.memory_space<hbm>>)
        tpu.yield
      }) : () -> ()
    } else {
    }
    return
  }
}

module attributes {stable_mosaic.version = 14 : i64} {
  func.func @_dense_a_body(%arg0: i32, %arg1: memref<2000x128xf32, #tpu.memory_space<vmem>>, %arg2: memref<2000x128xf32, #tpu.memory_space<vmem>>, %arg3: memref<128x128xf32, #tpu.memory_space<vmem>>, %arg4: memref<128x128xf32, #tpu.memory_space<vmem>>, %arg5: memref<8x128xf32, #tpu.memory_space<vmem>>, %arg6: memref<128x128xf32, #tpu.memory_space<vmem>>, %arg7: memref<128x128xf32, #tpu.memory_space<vmem>>, %arg8: memref<128x128xf32, #tpu.memory_space<vmem>>, %arg9: memref<2000x128xf32, #tpu.memory_space<vmem>>, %arg10: memref<2000x128xf32, #tpu.memory_space<vmem>>, %arg11: memref<2000x128xf32, #tpu.memory_space<vmem>>) attributes {dimension_semantics = [#tpu.dimension_semantics<arbitrary>], iteration_bounds = array<i64: 5>, scalar_prefetch = 0 : i64, scratch_operands = 0 : i64, tpu.core_type = #tpu.core_type<tc>, window_params = [{transform_indices = @transform_0, window_bounds = array<i64: 2000, 128>}, {transform_indices = @transform_1, window_bounds = array<i64: 2000, 128>}, {pipeline_mode = #tpu.pipeline_mode<synchronous>, transform_indices = @transform_2, window_bounds = array<i64: 128, 128>}, {pipeline_mode = #tpu.pipeline_mode<synchronous>, transform_indices = @transform_3, window_bounds = array<i64: 128, 128>}, {pipeline_mode = #tpu.pipeline_mode<synchronous>, transform_indices = @transform_4, window_bounds = array<i64: 8, 128>}, {pipeline_mode = #tpu.pipeline_mode<synchronous>, transform_indices = @transform_5, window_bounds = array<i64: 128, 128>}, {pipeline_mode = #tpu.pipeline_mode<synchronous>, transform_indices = @transform_6, window_bounds = array<i64: 128, 128>}, {pipeline_mode = #tpu.pipeline_mode<synchronous>, transform_indices = @transform_7, window_bounds = array<i64: 128, 128>}, {transform_indices = @transform_8, window_bounds = array<i64: 2000, 128>}, {transform_indices = @transform_9, window_bounds = array<i64: 2000, 128>}, {transform_indices = @transform_10, window_bounds = array<i64: 2000, 128>}]} {
    %get3A = arith.constant 0 : index
    %get3A_0 = arith.constant 0 : index
    %get3A_1 = vector.load %arg1[%get3A, %get3A_0] : memref<2000x128xf32, #tpu.memory_space<vmem>>, vector<2000x128xf32>
    %get3A_2 = arith.constant 0 : index
    %get3A_3 = arith.constant 0 : index
    %get3A_4 = vector.load %arg3[%get3A_2, %get3A_3] : memref<128x128xf32, #tpu.memory_space<vmem>>, vector<128x128xf32>
    %dot_general3A = arith.constant dense<0.000000e+00> : vector<2000x128xf32>
    %dot_general3A_5 = tpu.matmul %get3A_1, %get3A_4, %dot_general3A {dimension_numbers = #tpu.dot_dimension_numbers<[1], [0], [0], [1], [0, 0, 1, 1], [], []>, transpose_lhs_hint = false} : vector<2000x128xf32>, vector<128x128xf32>, vector<2000x128xf32> -> vector<2000x128xf32>
    %get3A_6 = arith.constant 0 : index
    %get3A_7 = arith.constant 0 : index
    %get3A_8 = vector.load %arg2[%get3A_6, %get3A_7] : memref<2000x128xf32, #tpu.memory_space<vmem>>, vector<2000x128xf32>
    %get3A_9 = arith.constant 0 : index
    %get3A_10 = arith.constant 0 : index
    %get3A_11 = vector.load %arg4[%get3A_9, %get3A_10] : memref<128x128xf32, #tpu.memory_space<vmem>>, vector<128x128xf32>
    %dot_general3A_12 = arith.constant dense<0.000000e+00> : vector<2000x128xf32>
    %dot_general3A_13 = tpu.matmul %get3A_8, %get3A_11, %dot_general3A_12 {dimension_numbers = #tpu.dot_dimension_numbers<[1], [0], [0], [1], [0, 0, 1, 1], [], []>, transpose_lhs_hint = false} : vector<2000x128xf32>, vector<128x128xf32>, vector<2000x128xf32> -> vector<2000x128xf32>
    %add3A = arith.addf %dot_general3A_5, %dot_general3A_13 : vector<2000x128xf32>
    %get3A_14 = arith.constant 0 : index
    %get3A_15 = arith.constant 0 : index
    %get3A_16 = vector.load %arg5[%get3A_14, %get3A_15] : memref<8x128xf32, #tpu.memory_space<vmem>>, vector<1x128xf32>
    %add3A_17 = vector.broadcast %get3A_16 : vector<1x128xf32> to vector<2000x128xf32>
    %add3A_18 = arith.addf %add3A, %add3A_17 : vector<2000x128xf32>
    %max3A = arith.constant 0.000000e+00 : f32
    %max3A_19 = vector.broadcast %max3A : f32 to vector<2000x128xf32>
    %max3A_20 = arith.maximumf %add3A_18, %max3A_19 : vector<2000x128xf32>
    %get3A_21 = arith.constant 0 : index
    %get3A_22 = arith.constant 0 : index
    %get3A_23 = vector.load %arg6[%get3A_21, %get3A_22] : memref<128x128xf32, #tpu.memory_space<vmem>>, vector<128x128xf32>
    %dot_general3A_24 = arith.constant dense<0.000000e+00> : vector<2000x128xf32>
    %dot_general3A_25 = tpu.matmul %max3A_20, %get3A_23, %dot_general3A_24 {dimension_numbers = #tpu.dot_dimension_numbers<[1], [0], [0], [1], [0, 0, 1, 1], [], []>, transpose_lhs_hint = false} : vector<2000x128xf32>, vector<128x128xf32>, vector<2000x128xf32> -> vector<2000x128xf32>
    %swap3A = arith.constant 0 : index
    %swap3A_26 = arith.constant 0 : index
    %swap3A_27 = vector.load %arg9[%swap3A, %swap3A_26] : memref<2000x128xf32, #tpu.memory_space<vmem>>, vector<2000x128xf32>
    tpu.vector_store %arg9[%swap3A, %swap3A_26], %dot_general3A_25 {strides = array<i32>} : memref<2000x128xf32, #tpu.memory_space<vmem>>, vector<2000x128xf32>,
    %get3A_28 = arith.constant 0 : index
    %get3A_29 = arith.constant 0 : index
    %get3A_30 = vector.load %arg7[%get3A_28, %get3A_29] : memref<128x128xf32, #tpu.memory_space<vmem>>, vector<128x128xf32>
    %dot_general3A_31 = arith.constant dense<0.000000e+00> : vector<2000x128xf32>
    %dot_general3A_32 = tpu.matmul %dot_general3A_25, %get3A_30, %dot_general3A_31 {dimension_numbers = #tpu.dot_dimension_numbers<[1], [0], [0], [1], [0, 0, 1, 1], [], []>, transpose_lhs_hint = false} : vector<2000x128xf32>, vector<128x128xf32>, vector<2000x128xf32> -> vector<2000x128xf32>
    %swap3A_33 = arith.constant 0 : index
    %swap3A_34 = arith.constant 0 : index
    %swap3A_35 = vector.load %arg10[%swap3A_33, %swap3A_34] : memref<2000x128xf32, #tpu.memory_space<vmem>>, vector<2000x128xf32>
    tpu.vector_store %arg10[%swap3A_33, %swap3A_34], %dot_general3A_32 {strides = array<i32>} : memref<2000x128xf32, #tpu.memory_space<vmem>>, vector<2000x128xf32>,
    %get3A_36 = arith.constant 0 : index
    %get3A_37 = arith.constant 0 : index
    %get3A_38 = vector.load %arg8[%get3A_36, %get3A_37] : memref<128x128xf32, #tpu.memory_space<vmem>>, vector<128x128xf32>
    %dot_general3A_39 = arith.constant dense<0.000000e+00> : vector<2000x128xf32>
    %dot_general3A_40 = tpu.matmul %max3A_20, %get3A_38, %dot_general3A_39 {dimension_numbers = #tpu.dot_dimension_numbers<[1], [0], [0], [1], [0, 0, 1, 1], [], []>, transpose_lhs_hint = false} : vector<2000x128xf32>, vector<128x128xf32>, vector<2000x128xf32> -> vector<2000x128xf32>
    %swap3A_41 = arith.constant 0 : index
    %swap3A_42 = arith.constant 0 : index
    %swap3A_43 = vector.load %arg11[%swap3A_41, %swap3A_42] : memref<2000x128xf32, #tpu.memory_space<vmem>>, vector<2000x128xf32>
    tpu.vector_store %arg11[%swap3A_41, %swap3A_42], %dot_general3A_40 {strides = array<i32>} : memref<2000x128xf32, #tpu.memory_space<vmem>>, vector<2000x128xf32>,
    return
  }
  func.func @transform_0(%arg0: i32) -> (i32, i32) {
    %c0_i32 = arith.constant 0 : i32
    %c0_i32_0 = arith.constant 0 : i32
    return %arg0, %c0_i32 : i32, i32
  }
  func.func @transform_1(%arg0: i32) -> (i32, i32) {
    %c0_i32 = arith.constant 0 : i32
    %c0_i32_0 = arith.constant 0 : i32
    return %arg0, %c0_i32 : i32, i32
  }
  func.func @transform_2(%arg0: i32) -> (i32, i32) {
    %c0_i32 = arith.constant 0 : i32
    %c0_i32_0 = arith.constant 0 : i32
    %c0_i32_1 = arith.constant 0 : i32
    return %c0_i32, %c0_i32_0 : i32, i32
  }
  func.func @transform_3(%arg0: i32) -> (i32, i32) {
    %c0_i32 = arith.constant 0 : i32
    %c0_i32_0 = arith.constant 0 : i32
    %c0_i32_1 = arith.constant 0 : i32
    return %c0_i32, %c0_i32_0 : i32, i32
  }
  func.func @transform_4(%arg0: i32) -> (i32, i32) {
    %c0_i32 = arith.constant 0 : i32
    %c0_i32_0 = arith.constant 0 : i32
    %c0_i32_1 = arith.constant 0 : i32
    return %c0_i32, %c0_i32_0 : i32, i32
  }
  func.func @transform_5(%arg0: i32) -> (i32, i32) {
    %c0_i32 = arith.constant 0 : i32
    %c0_i32_0 = arith.constant 0 : i32
    %c0_i32_1 = arith.constant 0 : i32
    return %c0_i32, %c0_i32_0 : i32, i32
  }
  func.func @transform_6(%arg0: i32) -> (i32, i32) {
    %c0_i32 = arith.constant 0 : i32
    %c0_i32_0 = arith.constant 0 : i32
    %c0_i32_1 = arith.constant 0 : i32
    return %c0_i32, %c0_i32_0 : i32, i32
  }
  func.func @transform_7(%arg0: i32) -> (i32, i32) {
    %c0_i32 = arith.constant 0 : i32
    %c0_i32_0 = arith.constant 0 : i32
    %c0_i32_1 = arith.constant 0 : i32
    return %c0_i32, %c0_i32_0 : i32, i32
  }
  func.func @transform_8(%arg0: i32) -> (i32, i32) {
    %c0_i32 = arith.constant 0 : i32
    %c0_i32_0 = arith.constant 0 : i32
    return %arg0, %c0_i32 : i32, i32
  }
  func.func @transform_9(%arg0: i32) -> (i32, i32) {
    %c0_i32 = arith.constant 0 : i32
    %c0_i32_0 = arith.constant 0 : i32
    return %arg0, %c0_i32 : i32, i32
  }
  func.func @transform_10(%arg0: i32) -> (i32, i32) {
    %c0_i32 = arith.constant 0 : i32
    %c0_i32_0 = arith.constant 0 : i32
    return %arg0, %c0_i32 : i32, i32
  }
}

module attributes {stable_mosaic.version = 14 : i64} {
  func.func @_dense_c_body(%arg0: i32, %arg1: memref<2x2000x128xf32, #tpu.memory_space<vmem>>, %arg2: memref<2000x128xf32, #tpu.memory_space<vmem>>, %arg3: memref<128x128xf32, #tpu.memory_space<vmem>>, %arg4: memref<128x128xf32, #tpu.memory_space<vmem>>, %arg5: memref<128x16xf32, #tpu.memory_space<vmem>>, %arg6: memref<4x128xf32, #tpu.memory_space<vmem>>, %arg7: memref<2000x128xf32, #tpu.memory_space<vmem>>, %arg8: memref<2000x128xf32, #tpu.memory_space<vmem>>, %arg9: memref<2000x16xf32, #tpu.memory_space<vmem>>) attributes {dimension_semantics = [#tpu.dimension_semantics<arbitrary>], iteration_bounds = array<i64: 5>, scalar_prefetch = 0 : i64, scratch_operands = 0 : i64, tpu.core_type = #tpu.core_type<tc>, window_params = [{transform_indices = @transform_0, window_bounds = array<i64: 2, 2000, 128>}, {transform_indices = @transform_1, window_bounds = array<i64: 2000, 128>}, {pipeline_mode = #tpu.pipeline_mode<synchronous>, transform_indices = @transform_2, window_bounds = array<i64: 128, 128>}, {pipeline_mode = #tpu.pipeline_mode<synchronous>, transform_indices = @transform_3, window_bounds = array<i64: 128, 128>}, {pipeline_mode = #tpu.pipeline_mode<synchronous>, transform_indices = @transform_4, window_bounds = array<i64: 128, 16>}, {pipeline_mode = #tpu.pipeline_mode<synchronous>, transform_indices = @transform_5, window_bounds = array<i64: 4, 128>}, {transform_indices = @transform_6, window_bounds = array<i64: 2000, 128>}, {transform_indices = @transform_7, window_bounds = array<i64: 2000, 128>}, {transform_indices = @transform_8, window_bounds = array<i64: 2000, 16>}]} {
    %get3A = arith.constant 0 : index
    %get3A_0 = arith.constant 0 : index
    %get3A_1 = arith.constant 0 : index
    %get3A_2 = vector.load %arg1[%get3A, %get3A_0, %get3A_1] : memref<2x2000x128xf32, #tpu.memory_space<vmem>>, vector<1x2000x128xf32>
    %get3A_3 = vector.shape_cast %get3A_2 : vector<1x2000x128xf32> to vector<2000x128xf32>
    %get3A_4 = arith.constant 1 : index
    %get3A_5 = arith.constant 0 : index
    %get3A_6 = arith.constant 0 : index
    %get3A_7 = vector.load %arg1[%get3A_4, %get3A_5, %get3A_6] : memref<2x2000x128xf32, #tpu.memory_space<vmem>>, vector<1x2000x4xf32>
    %get3A_8 = vector.shape_cast %get3A_7 : vector<1x2000x4xf32> to vector<2000x4xf32>
    %max3A = arith.constant 9.99999971E-10 : f32
    %max3A_9 = vector.broadcast %max3A : f32 to vector<2000x4xf32>
    %max3A_10 = arith.maximumf %get3A_8, %max3A_9 : vector<2000x4xf32>
    %div3A = arith.constant 1.000000e+00 : f32
    %div3A_11 = vector.broadcast %div3A : f32 to vector<2000x4xf32>
    %div3A_12 = arith.divf %div3A_11, %max3A_10 : vector<2000x4xf32>
    %get3A_13 = arith.constant 0 : index
    %get3A_14 = arith.constant 0 : index
    %get3A_15 = vector.load %arg6[%get3A_13, %get3A_14] : memref<4x128xf32, #tpu.memory_space<vmem>>, vector<4x128xf32>
    %get3A_16 = vector.shape_cast %get3A_15 : vector<4x128xf32> to vector<4x128xf32>
    %dot_general3A = arith.constant dense<0.000000e+00> : vector<2000x128xf32>
    %dot_general3A_17 = tpu.matmul %div3A_12, %get3A_16, %dot_general3A {dimension_numbers = #tpu.dot_dimension_numbers<[1], [0], [0], [1], [0, 0, 1, 1], [], []>, transpose_lhs_hint = false} : vector<2000x4xf32>, vector<4x128xf32>, vector<2000x128xf32> -> vector<2000x128xf32>
    %mul3A = arith.mulf %get3A_3, %dot_general3A_17 : vector<2000x128xf32>
    %get3A_18 = arith.constant 0 : index
    %get3A_19 = arith.constant 0 : index
    %get3A_20 = vector.load %arg2[%get3A_18, %get3A_19] : memref<2000x128xf32, #tpu.memory_space<vmem>>, vector<2000x128xf32>
    %add3A = arith.addf %mul3A, %get3A_20 : vector<2000x128xf32>
    %max3A_21 = arith.constant 0.000000e+00 : f32
    %max3A_22 = vector.broadcast %max3A_21 : f32 to vector<2000x128xf32>
    %max3A_23 = arith.maximumf %add3A, %max3A_22 : vector<2000x128xf32>
    %get3A_24 = arith.constant 0 : index
    %get3A_25 = arith.constant 0 : index
    %get3A_26 = vector.load %arg3[%get3A_24, %get3A_25] : memref<128x128xf32, #tpu.memory_space<vmem>>, vector<128x128xf32>
    %dot_general3A_27 = arith.constant dense<0.000000e+00> : vector<2000x128xf32>
    %dot_general3A_28 = tpu.matmul %max3A_23, %get3A_26, %dot_general3A_27 {dimension_numbers = #tpu.dot_dimension_numbers<[1], [0], [0], [1], [0, 0, 1, 1], [], []>, transpose_lhs_hint = false} : vector<2000x128xf32>, vector<128x128xf32>, vector<2000x128xf32> -> vector<2000x128xf32>
    %swap3A = arith.constant 0 : index
    %swap3A_29 = arith.constant 0 : index
    %swap3A_30 = vector.load %arg7[%swap3A, %swap3A_29] : memref<2000x128xf32, #tpu.memory_space<vmem>>, vector<2000x128xf32>
    tpu.vector_store %arg7[%swap3A, %swap3A_29], %dot_general3A_28 {strides = array<i32>} : memref<2000x128xf32, #tpu.memory_space<vmem>>, vector<2000x128xf32>,
    %get3A_31 = arith.constant 0 : index
    %get3A_32 = arith.constant 0 : index
    %get3A_33 = vector.load %arg4[%get3A_31, %get3A_32] : memref<128x128xf32, #tpu.memory_space<vmem>>, vector<128x128xf32>
    %dot_general3A_34 = arith.constant dense<0.000000e+00> : vector<2000x128xf32>
    %dot_general3A_35 = tpu.matmul %dot_general3A_28, %get3A_33, %dot_general3A_34 {dimension_numbers = #tpu.dot_dimension_numbers<[1], [0], [0], [1], [0, 0, 1, 1], [], []>, transpose_lhs_hint = false} : vector<2000x128xf32>, vector<128x128xf32>, vector<2000x128xf32> -> vector<2000x128xf32>
    %swap3A_36 = arith.constant 0 : index
    %swap3A_37 = arith.constant 0 : index
    %swap3A_38 = vector.load %arg8[%swap3A_36, %swap3A_37] : memref<2000x128xf32, #tpu.memory_space<vmem>>, vector<2000x128xf32>
    tpu.vector_store %arg8[%swap3A_36, %swap3A_37], %dot_general3A_35 {strides = array<i32>} : memref<2000x128xf32, #tpu.memory_space<vmem>>, vector<2000x128xf32>,
    %get3A_39 = arith.constant 0 : index
    %get3A_40 = arith.constant 0 : index
    %get3A_41 = vector.load %arg5[%get3A_39, %get3A_40] : memref<128x16xf32, #tpu.memory_space<vmem>>, vector<128x16xf32>
    %dot_general3A_42 = arith.constant dense<0.000000e+00> : vector<2000x16xf32>
    %dot_general3A_43 = tpu.matmul %max3A_23, %get3A_41, %dot_general3A_42 {dimension_numbers = #tpu.dot_dimension_numbers<[1], [0], [0], [1], [0, 0, 1, 1], [], []>, transpose_lhs_hint = false} : vector<2000x128xf32>, vector<128x16xf32>, vector<2000x16xf32> -> vector<2000x16xf32>
    %swap3A_44 = arith.constant 0 : index
    %swap3A_45 = arith.constant 0 : index
    %swap3A_46 = vector.load %arg9[%swap3A_44, %swap3A_45] : memref<2000x16xf32, #tpu.memory_space<vmem>>, vector<2000x16xf32>
    tpu.vector_store %arg9[%swap3A_44, %swap3A_45], %dot_general3A_43 {strides = array<i32>} : memref<2000x16xf32, #tpu.memory_space<vmem>>, vector<2000x16xf32>,
    return
  }
  func.func @transform_0(%arg0: i32) -> (i32, i32, i32) {
    %c0_i32 = arith.constant 0 : i32
    %c0_i32_0 = arith.constant 0 : i32
    %c0_i32_1 = arith.constant 0 : i32
    return %c0_i32, %arg0, %c0_i32_0 : i32, i32, i32
  }
  func.func @transform_1(%arg0: i32) -> (i32, i32) {
    %c0_i32 = arith.constant 0 : i32
    %c0_i32_0 = arith.constant 0 : i32
    return %arg0, %c0_i32 : i32, i32
  }
  func.func @transform_2(%arg0: i32) -> (i32, i32) {
    %c0_i32 = arith.constant 0 : i32
    %c0_i32_0 = arith.constant 0 : i32
    %c0_i32_1 = arith.constant 0 : i32
    return %c0_i32, %c0_i32_0 : i32, i32
  }
  func.func @transform_3(%arg0: i32) -> (i32, i32) {
    %c0_i32 = arith.constant 0 : i32
    %c0_i32_0 = arith.constant 0 : i32
    %c0_i32_1 = arith.constant 0 : i32
    return %c0_i32, %c0_i32_0 : i32, i32
  }
  func.func @transform_4(%arg0: i32) -> (i32, i32) {
    %c0_i32 = arith.constant 0 : i32
    %c0_i32_0 = arith.constant 0 : i32
    %c0_i32_1 = arith.constant 0 : i32
    return %c0_i32, %c0_i32_0 : i32, i32
  }
  func.func @transform_5(%arg0: i32) -> (i32, i32) {
    %c0_i32 = arith.constant 0 : i32
    %c0_i32_0 = arith.constant 0 : i32
    %c0_i32_1 = arith.constant 0 : i32
    return %c0_i32, %c0_i32_0 : i32, i32
  }
  func.func @transform_6(%arg0: i32) -> (i32, i32) {
    %c0_i32 = arith.constant 0 : i32
    %c0_i32_0 = arith.constant 0 : i32
    return %arg0, %c0_i32 : i32, i32
  }
  func.func @transform_7(%arg0: i32) -> (i32, i32) {
    %c0_i32 = arith.constant 0 : i32
    %c0_i32_0 = arith.constant 0 : i32
    return %arg0, %c0_i32 : i32, i32
  }
  func.func @transform_8(%arg0: i32) -> (i32, i32) {
    %c0_i32 = arith.constant 0 : i32
    %c0_i32_0 = arith.constant 0 : i32
    return %arg0, %c0_i32 : i32, i32
  }
}

module attributes {stable_mosaic.version = 14 : i64} {
  func.func @_dense_e_body(%arg0: i32, %arg1: memref<2x2000x128xf32, #tpu.memory_space<vmem>>, %arg2: memref<2000x16xf32, #tpu.memory_space<vmem>>, %arg3: memref<16x128xf32, #tpu.memory_space<vmem>>, %arg4: memref<128x128xf32, #tpu.memory_space<vmem>>, %arg5: memref<128x32xf32, #tpu.memory_space<vmem>>, %arg6: memref<32x128xf32, #tpu.memory_space<vmem>>, %arg7: memref<8x128xf32, #tpu.memory_space<vmem>>, %arg8: memref<32x128xf32, #tpu.memory_space<vmem>>, %arg9: memref<8x128xf32, #tpu.memory_space<vmem>>, %arg10: memref<2000x128xf32, #tpu.memory_space<vmem>>, %arg11: memref<2000x128xf32, #tpu.memory_space<vmem>>) attributes {dimension_semantics = [#tpu.dimension_semantics<arbitrary>], iteration_bounds = array<i64: 5>, scalar_prefetch = 0 : i64, scratch_operands = 0 : i64, tpu.core_type = #tpu.core_type<tc>, window_params = [{transform_indices = @transform_0, window_bounds = array<i64: 2, 2000, 128>}, {transform_indices = @transform_1, window_bounds = array<i64: 2000, 16>}, {pipeline_mode = #tpu.pipeline_mode<synchronous>, transform_indices = @transform_2, window_bounds = array<i64: 16, 128>}, {pipeline_mode = #tpu.pipeline_mode<synchronous>, transform_indices = @transform_3, window_bounds = array<i64: 128, 128>}, {pipeline_mode = #tpu.pipeline_mode<synchronous>, transform_indices = @transform_4, window_bounds = array<i64: 128, 32>}, {pipeline_mode = #tpu.pipeline_mode<synchronous>, transform_indices = @transform_5, window_bounds = array<i64: 32, 128>}, {pipeline_mode = #tpu.pipeline_mode<synchronous>, transform_indices = @transform_6, window_bounds = array<i64: 8, 128>}, {pipeline_mode = #tpu.pipeline_mode<synchronous>, transform_indices = @transform_7, window_bounds = array<i64: 32, 128>}, {pipeline_mode = #tpu.pipeline_mode<synchronous>, transform_indices = @transform_8, window_bounds = array<i64: 8, 128>}, {transform_indices = @transform_9, window_bounds = array<i64: 2000, 128>}, {transform_indices = @transform_10, window_bounds = array<i64: 2000, 128>}]} {
    %get3A = arith.constant 0 : index
    %get3A_0 = arith.constant 0 : index
    %get3A_1 = arith.constant 0 : index
    %get3A_2 = vector.load %arg1[%get3A, %get3A_0, %get3A_1] : memref<2x2000x128xf32, #tpu.memory_space<vmem>>, vector<1x2000x16xf32>
    %get3A_3 = vector.shape_cast %get3A_2 : vector<1x2000x16xf32> to vector<2000x16xf32>
    %get3A_4 = arith.constant 1 : index
    %get3A_5 = arith.constant 0 : index
    %get3A_6 = arith.constant 0 : index
    %get3A_7 = vector.load %arg1[%get3A_4, %get3A_5, %get3A_6] : memref<2x2000x128xf32, #tpu.memory_space<vmem>>, vector<1x2000x1xf32>
    %get3A_8 = vector.shape_cast %get3A_7 : vector<1x2000x1xf32> to vector<2000x1xf32>
    %max3A = arith.constant 9.99999971E-10 : f32
    %max3A_9 = vector.broadcast %max3A : f32 to vector<2000x1xf32>
    %max3A_10 = arith.maximumf %get3A_8, %max3A_9 : vector<2000x1xf32>
    %div3A = arith.constant 1.000000e+00 : f32
    %div3A_11 = vector.broadcast %div3A : f32 to vector<2000x1xf32>
    %div3A_12 = arith.divf %div3A_11, %max3A_10 : vector<2000x1xf32>
    %mul3A = vector.broadcast %div3A_12 : vector<2000x1xf32> to vector<2000x16xf32>
    %mul3A_13 = arith.mulf %get3A_3, %mul3A : vector<2000x16xf32>
    %get3A_14 = arith.constant 0 : index
    %get3A_15 = arith.constant 0 : index
    %get3A_16 = vector.load %arg2[%get3A_14, %get3A_15] : memref<2000x16xf32, #tpu.memory_space<vmem>>, vector<2000x16xf32>
    %add3A = arith.addf %mul3A_13, %get3A_16 : vector<2000x16xf32>
    %max3A_17 = arith.constant 0.000000e+00 : f32
    %max3A_18 = vector.broadcast %max3A_17 : f32 to vector<2000x16xf32>
    %max3A_19 = arith.maximumf %add3A, %max3A_18 : vector<2000x16xf32>
    %get3A_20 = arith.constant 0 : index
    %get3A_21 = arith.constant 0 : index
    %get3A_22 = vector.load %arg3[%get3A_20, %get3A_21] : memref<16x128xf32, #tpu.memory_space<vmem>>, vector<16x128xf32>
    %dot_general3A = arith.constant dense<0.000000e+00> : vector<2000x128xf32>
    %dot_general3A_23 = tpu.matmul %max3A_19, %get3A_22, %dot_general3A {dimension_numbers = #tpu.dot_dimension_numbers<[1], [0], [0], [1], [0, 0, 1, 1], [], []>, transpose_lhs_hint = false} : vector<2000x16xf32>, vector<16x128xf32>, vector<2000x128xf32> -> vector<2000x128xf32>
    %max3A_24 = arith.constant 0.000000e+00 : f32
    %max3A_25 = vector.broadcast %max3A_24 : f32 to vector<2000x128xf32>
    %max3A_26 = arith.maximumf %dot_general3A_23, %max3A_25 : vector<2000x128xf32>
    %get3A_27 = arith.constant 0 : index
    %get3A_28 = arith.constant 0 : index
    %get3A_29 = vector.load %arg4[%get3A_27, %get3A_28] : memref<128x128xf32, #tpu.memory_space<vmem>>, vector<128x128xf32>
    %dot_general3A_30 = arith.constant dense<0.000000e+00> : vector<2000x128xf32>
    %dot_general3A_31 = tpu.matmul %max3A_26, %get3A_29, %dot_general3A_30 {dimension_numbers = #tpu.dot_dimension_numbers<[1], [0], [0], [1], [0, 0, 1, 1], [], []>, transpose_lhs_hint = false} : vector<2000x128xf32>, vector<128x128xf32>, vector<2000x128xf32> -> vector<2000x128xf32>
    %max3A_32 = arith.constant 0.000000e+00 : f32
    %max3A_33 = vector.broadcast %max3A_32 : f32 to vector<2000x128xf32>
    %max3A_34 = arith.maximumf %dot_general3A_31, %max3A_33 : vector<2000x128xf32>
    %get3A_35 = arith.constant 0 : index
    %get3A_36 = arith.constant 0 : index
    %get3A_37 = vector.load %arg5[%get3A_35, %get3A_36] : memref<128x32xf32, #tpu.memory_space<vmem>>, vector<128x32xf32>
    %get3A_38 = vector.shape_cast %get3A_37 : vector<128x32xf32> to vector<128x32xf32>
    %dot_general3A_39 = arith.constant dense<0.000000e+00> : vector<2000x32xf32>
    %dot_general3A_40 = tpu.matmul %max3A_34, %get3A_38, %dot_general3A_39 {dimension_numbers = #tpu.dot_dimension_numbers<[1], [0], [0], [1], [0, 0, 1, 1], [], []>, transpose_lhs_hint = false} : vector<2000x128xf32>, vector<128x32xf32>, vector<2000x32xf32> -> vector<2000x32xf32>
    %get3A_41 = arith.constant 0 : index
    %get3A_42 = arith.constant 0 : index
    %get3A_43 = vector.load %arg6[%get3A_41, %get3A_42] : memref<32x128xf32, #tpu.memory_space<vmem>>, vector<32x128xf32>
    %dot_general3A_44 = arith.constant dense<0.000000e+00> : vector<2000x128xf32>
    %dot_general3A_45 = tpu.matmul %dot_general3A_40, %get3A_43, %dot_general3A_44 {dimension_numbers = #tpu.dot_dimension_numbers<[1], [0], [0], [1], [0, 0, 1, 1], [], []>, transpose_lhs_hint = false} : vector<2000x32xf32>, vector<32x128xf32>, vector<2000x128xf32> -> vector<2000x128xf32>
    %get3A_46 = arith.constant 0 : index
    %get3A_47 = arith.constant 0 : index
    %get3A_48 = vector.load %arg7[%get3A_46, %get3A_47] : memref<8x128xf32, #tpu.memory_space<vmem>>, vector<1x128xf32>
    %add3A_49 = vector.broadcast %get3A_48 : vector<1x128xf32> to vector<2000x128xf32>
    %add3A_50 = arith.addf %dot_general3A_45, %add3A_49 : vector<2000x128xf32>
    %get3A_51 = arith.constant 0 : index
    %get3A_52 = arith.constant 0 : index
    %get3A_53 = vector.load %arg8[%get3A_51, %get3A_52] : memref<32x128xf32, #tpu.memory_space<vmem>>, vector<32x128xf32>
    %dot_general3A_54 = arith.constant dense<0.000000e+00> : vector<2000x128xf32>
    %dot_general3A_55 = tpu.matmul %dot_general3A_40, %get3A_53, %dot_general3A_54 {dimension_numbers = #tpu.dot_dimension_numbers<[1], [0], [0], [1], [0, 0, 1, 1], [], []>, transpose_lhs_hint = false} : vector<2000x32xf32>, vector<32x128xf32>, vector<2000x128xf32> -> vector<2000x128xf32>
    %get3A_56 = arith.constant 0 : index
    %get3A_57 = arith.constant 0 : index
    %get3A_58 = vector.load %arg9[%get3A_56, %get3A_57] : memref<8x128xf32, #tpu.memory_space<vmem>>, vector<1x128xf32>
    %add3A_59 = vector.broadcast %get3A_58 : vector<1x128xf32> to vector<2000x128xf32>
    %add3A_60 = arith.addf %dot_general3A_55, %add3A_59 : vector<2000x128xf32>
    %neg3A = arith.constant 0.000000e+00 : f32
    %neg3A_61 = vector.broadcast %neg3A : f32 to vector<2000x128xf32>
    %neg3A_62 = arith.subf %neg3A_61, %add3A_50 : vector<2000x128xf32>
    %exp3A = math.exp %neg3A_62 : vector<2000x128xf32>
    %add3A_63 = arith.constant 1.000000e+00 : f32
    %add3A_64 = vector.broadcast %add3A_63 : f32 to vector<2000x128xf32>
    %add3A_65 = arith.addf %add3A_64, %exp3A : vector<2000x128xf32>
    %div3A_66 = arith.constant 1.000000e+00 : f32
    %div3A_67 = vector.broadcast %div3A_66 : f32 to vector<2000x128xf32>
    %div3A_68 = arith.divf %div3A_67, %add3A_65 : vector<2000x128xf32>
    %swap3A = arith.constant 0 : index
    %swap3A_69 = arith.constant 0 : index
    %swap3A_70 = vector.load %arg10[%swap3A, %swap3A_69] : memref<2000x128xf32, #tpu.memory_space<vmem>>, vector<2000x128xf32>
    tpu.vector_store %arg10[%swap3A, %swap3A_69], %div3A_68 {strides = array<i32>} : memref<2000x128xf32, #tpu.memory_space<vmem>>, vector<2000x128xf32>,
    %neg3A_71 = arith.constant 0.000000e+00 : f32
    %neg3A_72 = vector.broadcast %neg3A_71 : f32 to vector<2000x128xf32>
    %neg3A_73 = arith.subf %neg3A_72, %add3A_60 : vector<2000x128xf32>
    %exp3A_74 = math.exp %neg3A_73 : vector<2000x128xf32>
    %add3A_75 = arith.constant 1.000000e+00 : f32
    %add3A_76 = vector.broadcast %add3A_75 : f32 to vector<2000x128xf32>
    %add3A_77 = arith.addf %add3A_76, %exp3A_74 : vector<2000x128xf32>
    %div3A_78 = arith.constant 1.000000e+00 : f32
    %div3A_79 = vector.broadcast %div3A_78 : f32 to vector<2000x128xf32>
    %div3A_80 = arith.divf %div3A_79, %add3A_77 : vector<2000x128xf32>
    %swap3A_81 = arith.constant 0 : index
    %swap3A_82 = arith.constant 0 : index
    %swap3A_83 = vector.load %arg11[%swap3A_81, %swap3A_82] : memref<2000x128xf32, #tpu.memory_space<vmem>>, vector<2000x128xf32>
    tpu.vector_store %arg11[%swap3A_81, %swap3A_82], %div3A_80 {strides = array<i32>} : memref<2000x128xf32, #tpu.memory_space<vmem>>, vector<2000x128xf32>,
    return
  }
  func.func @transform_0(%arg0: i32) -> (i32, i32, i32) {
    %c0_i32 = arith.constant 0 : i32
    %c0_i32_0 = arith.constant 0 : i32
    %c0_i32_1 = arith.constant 0 : i32
    return %c0_i32, %arg0, %c0_i32_0 : i32, i32, i32
  }
  func.func @transform_1(%arg0: i32) -> (i32, i32) {
    %c0_i32 = arith.constant 0 : i32
    %c0_i32_0 = arith.constant 0 : i32
    return %arg0, %c0_i32 : i32, i32
  }
  func.func @transform_2(%arg0: i32) -> (i32, i32) {
    %c0_i32 = arith.constant 0 : i32
    %c0_i32_0 = arith.constant 0 : i32
    %c0_i32_1 = arith.constant 0 : i32
    return %c0_i32, %c0_i32_0 : i32, i32
  }
  func.func @transform_3(%arg0: i32) -> (i32, i32) {
    %c0_i32 = arith.constant 0 : i32
    %c0_i32_0 = arith.constant 0 : i32
    %c0_i32_1 = arith.constant 0 : i32
    return %c0_i32, %c0_i32_0 : i32, i32
  }
  func.func @transform_4(%arg0: i32) -> (i32, i32) {
    %c0_i32 = arith.constant 0 : i32
    %c0_i32_0 = arith.constant 0 : i32
    %c0_i32_1 = arith.constant 0 : i32
    return %c0_i32, %c0_i32_0 : i32, i32
  }
  func.func @transform_5(%arg0: i32) -> (i32, i32) {
    %c0_i32 = arith.constant 0 : i32
    %c0_i32_0 = arith.constant 0 : i32
    %c0_i32_1 = arith.constant 0 : i32
    return %c0_i32, %c0_i32_0 : i32, i32
  }
  func.func @transform_6(%arg0: i32) -> (i32, i32) {
    %c0_i32 = arith.constant 0 : i32
    %c0_i32_0 = arith.constant 0 : i32
    %c0_i32_1 = arith.constant 0 : i32
    return %c0_i32, %c0_i32_0 : i32, i32
  }
  func.func @transform_7(%arg0: i32) -> (i32, i32) {
    %c0_i32 = arith.constant 0 : i32
    %c0_i32_0 = arith.constant 0 : i32
    %c0_i32_1 = arith.constant 0 : i32
    return %c0_i32, %c0_i32_0 : i32, i32
  }
  func.func @transform_8(%arg0: i32) -> (i32, i32) {
    %c0_i32 = arith.constant 0 : i32
    %c0_i32_0 = arith.constant 0 : i32
    %c0_i32_1 = arith.constant 0 : i32
    return %c0_i32, %c0_i32_0 : i32, i32
  }
  func.func @transform_9(%arg0: i32) -> (i32, i32) {
    %c0_i32 = arith.constant 0 : i32
    %c0_i32_0 = arith.constant 0 : i32
    return %arg0, %c0_i32 : i32, i32
  }
  func.func @transform_10(%arg0: i32) -> (i32, i32) {
    %c0_i32 = arith.constant 0 : i32
    %c0_i32_0 = arith.constant 0 : i32
    return %arg0, %c0_i32 : i32, i32
  }
}

</mosaic_0001>

<sc_bundles>
// kernel: kernel.10.cloned.1.call-start
scs
__scs_entry_jumppad:
0x0: {  	(pc) =	sbr.rel $0x88, $3  }
0x1: {  	(tag) =	ssettag $0x0;
	lr =	simm.s32 $0x1  }
0x2: {  	[smem:$0x3F8E] =	sst lr;
	_ =	strace $0xD0000000  }
0x3: {  	_ = 	snop  }
0x4: {  	_ = 	snop  }
0x5: {  	_ = 	snop  }
0x6: {  	_ = 	snop  }
0x7: {  	_ = 	snop  }
__scs_overlays_trampoline_lowered:
0x8: {  	[smem:$0x3F9D] =	sst s0  }
0x9: {  	[smem:$0x3F9E] =	sst s1  }
0xa: {  	[smem:$0x3F9F] =	sst s2  }
0xb: {  	[smem:$0x3FA0] =	sst s3  }
0xc: {  	[smem:$0x3FA1] =	sst s4  }
0xd: {  	[smem:$0x3FA2] =	sst s5  }
0xe: {  	[smem:$0x3FA3] =	sst s6  }
0xf: {  	[smem:$0x3FA4] =	sst s7  }
0x10: {  	[smem:$0x3FA5] =	sst s8  }
0x11: {  	[smem:$0x3FA6] =	sst s9;
	s0 =	simm.s32 @!p0 $0x0  }
0x12: {  	s1 =	sld [smem:$0x3F8C];
	s0 =	simm.s32 @p0 $0x1  }
0x13: {  	[smem:$0x3FA7] =	sst s0;
	s0 =	simm.s32 @!p1 $0x0  }
0x14: {  	s2 =	sld [smem:$0x3F8B];
	s0 =	simm.s32 @p1 $0x1  }
0x15: {  	[smem:$0x3FA8] =	sst s0;
	s0 =	simm.s32 @!p2 $0x0  }
0x16: {  	s3 =	sld [smem:$0x3FDB];
	s0 =	simm.s32 @p2 $0x1  }
0x17: {  	s4 =	simm.s32 $0x1BF5;
	[smem:$0x3FAA] =	sst s0  }
0x18: {  	s0 =	sld [smem:$0x3F8D];
	_ =	swait.ge [sflag:s4], $0x0  }
0x19: {  	s7 =	sld [smem:$0x3F8E]  }
0x1a: {  	s8 =	sadd.s32 $0xFFFFE003, lr  }
0x1b: {  	s9 =	sadd.s32 $0xFFFFFEF7, lr;
	s5 =	simm.s32 $0xFFFFFFFF;
	p2 =	slt.u32 s8, $0xFFFFF086  }
0x1c: {  	p1 =	slt.u32 s9, $0xF7A;
	s5 =	simm.s32 @!p2 $0x0  }
0x1d: {  	s5 =	simm.s32 @p1 $0x1;
	p0 =	seq.s32 s7, s2  }
0x1e: {  	s7 =	smul.u32 @!p0 $0xF7A, s2;
	p2 =	seq.s32 @!p0 s5, $0x0  }
0x1f: {  	s9 =	smul.u32 $0xF7A, s1;
	s8 =	simm.s32 @!p0 $0x1BF5;
	p2 =	por !p2, p0  }
0x20: {  	[sflag:s8] =	ssyncset.s32 @!p0 $0xFFFFF086;
	s6 =	sadd.s32 @!p0 s3, s7;
	s7 =	simm.s32 @!p0 $0x108  }
0x21: {  	s3 =	sadd.s32 s3, s9;
	s6 =	sadd.s32 @!p0 $0x88, s6;
	s7 =	simm.s32 @p2 $0x1082  }
0x22: {  	[simem:s7], [sflag:s8] =	dma.local @!p0 [hbm:s6], $0xF7A  }
0x23: {  	s9 =	sor.u32 $0xD0000000, s2;
	s6 =	simm.s32 $0x108;
	_ =	swait.ge @!p0 [sflag:s8], $0x0  }
0x24: {  	s3 =	sadd.s32 $0x88, s3;
	s6 =	simm.s32 @!p1 $0x1082;
	[sflag:s4] =	ssyncset.s32 $0xFFFFF086  }
0x25: {  	[simem:s6], [sflag:s4] =	dma.local [hbm:s3], $0xF7A  }
0x26: {  	[smem:$0x3F8E] =	sst s1;
	(tag) =	ssettag s2;
	_ =	strace s9  }
0x27: {  	s1 =	sld [smem:$0x3F9E]  }
0x28: {  	s2 =	sld [smem:$0x3F9F]  }
0x29: {  	s4 =	sld [smem:$0x3FA1]  }
0x2a: {  	p0 =	seq.s32 s5, $0x0;
	s5 =	sld [smem:$0x3FA2]  }
0x2b: {  	s6 =	sld [smem:$0x3FA3]  }
0x2c: {  	s7 =	sld [smem:$0x3FA4]  }
0x2d: {  	s3 =	simm.s32 $0x108;
	s8 =	sld [smem:$0x3FA5]  }
0x2e: {  	s3 =	simm.s32 @!p0 $0x1082;
	s9 =	sld [smem:$0x3FA6]  }
0x2f: {  	lr =	sadd.s32 s0, s3;
	s0 =	sld [smem:$0x3F9D]  }
0x30: {  	s3 =	sld [smem:$0x3FA0]  }
0x31: {  	[smem:$0x3FA9] =	sst s10  }
0x32: {  	s10 =	sld [smem:$0x3FA7];
	_ =	sdelay $0x3  }
0x33: {  	p0 =	seq.s32 s10, $0x1;
	s10 =	sld [smem:$0x3FA9];
	_ =	sdelay $0x3  }
0x34: {  	[smem:$0x3FA9] =	sst s10  }
0x35: {  	s10 =	sld [smem:$0x3FA8];
	_ =	sdelay $0x3  }
0x36: {  	p1 =	seq.s32 s10, $0x1;
	s10 =	sld [smem:$0x3FA9];
	_ =	sdelay $0x3  }
0x37: {  	[smem:$0x3FA9] =	sst s10  }
0x38: {  	s10 =	sld [smem:$0x3FAA]  }
0x39: {  	_ = 	snop;
	(pc) =	sbr.ind lr, $3  }
0x3a: {  	_ = 	snop  }
0x3b: {  	_ = 	snop  }
0x3c: {  	p2 =	seq.s32 s10, $0x1;
	s10 =	sld [smem:$0x3FA9]  }
0x3d: {  	_ =	shalt  }
0x3e: {  	_ =	shalt  }
0x3f: {  	_ =	shalt  }
0x40: {  	_ =	shalt  }
0x41: {  	_ =	shalt  }
0x42: {  	_ =	shalt  }
0x43: {  	_ =	shalt  }
0x44: {  	_ =	shalt  }
0x45: {  	_ =	shalt  }
0x46: {  	_ =	shalt  }
0x47: {  	_ =	shalt  }
0x48: {  	_ =	shalt  }
0x49: {  	_ =	shalt  }
0x4a: {  	_ =	shalt  }
0x4b: {  	_ =	shalt  }
0x4c: {  	_ =	shalt  }
0x4d: {  	_ =	shalt  }
0x4e: {  	_ =	shalt  }
0x4f: {  	_ =	shalt  }
0x50: {  	_ =	shalt  }
0x51: {  	_ =	shalt  }
0x52: {  	_ =	shalt  }
0x53: {  	_ =	shalt  }
0x54: {  	_ =	shalt  }
0x55: {  	_ =	shalt  }
0x56: {  	_ =	shalt  }
0x57: {  	_ =	shalt  }
0x58: {  	_ =	shalt  }
0x59: {  	_ =	shalt  }
0x5a: {  	_ =	shalt  }
0x5b: {  	_ =	shalt  }
0x5c: {  	_ =	shalt  }
0x5d: {  	_ =	shalt  }
0x5e: {  	_ =	shalt  }
0x5f: {  	_ =	shalt  }
0x60: {  	_ =	shalt  }
0x61: {  	_ =	shalt  }
0x62: {  	_ =	shalt  }
0x63: {  	_ =	shalt  }
0x64: {  	_ =	shalt  }
0x65: {  	_ =	shalt  }
0x66: {  	_ =	shalt  }
0x67: {  	_ =	shalt  }
0x68: {  	_ =	shalt  }
0x69: {  	_ =	shalt  }
0x6a: {  	_ =	shalt  }
0x6b: {  	_ =	shalt  }
0x6c: {  	_ =	shalt  }
0x6d: {  	_ =	shalt  }
0x6e: {  	_ =	shalt  }
0x6f: {  	_ =	shalt  }
0x70: {  	_ =	shalt  }
0x71: {  	_ =	shalt  }
0x72: {  	_ =	shalt  }
0x73: {  	_ =	shalt  }
0x74: {  	_ =	shalt  }
0x75: {  	_ =	shalt  }
0x76: {  	_ =	shalt  }
0x77: {  	_ =	shalt  }
0x78: {  	_ =	shalt  }
0x79: {  	_ =	shalt  }
0x7a: {  	_ =	shalt  }
0x7b: {  	_ =	shalt  }
0x7c: {  	_ =	shalt  }
0x7d: {  	_ =	shalt  }
0x7e: {  	_ =	shalt  }
0x7f: {  	_ =	shalt  }
0x80: {  	_ =	shalt  }
0x81: {  	_ =	shalt  }
0x82: {  	_ =	shalt  }
0x83: {  	_ =	shalt  }
0x84: {  	_ =	shalt  }
0x85: {  	_ =	shalt  }
0x86: {  	_ =	shalt  }
0x87: {  	_ =	shalt  }
.Lfunc_end0:
.L_simem_size_0:
called_computation.1_lowered:
.L_overlay_start_0:
0x88: {  	s2 =	sld [smem:$0x3FD9]  }
0x89: {  	s3 =	sld [smem:$0x3FFE];
	_ =	sdelay $0x1  }
0x8a: {  	s1 =	srdreg.scid  }
0x8b: {  	s0 =	sand.u32 $0x1, s1  }
0x8c: {  	s14 =	sshll.u32 s0, $0xA;
	s2 =	sadd.s32 s3, s2  }
0x8d: {  	s2 =	sadd.s32 s2, s14  }
0x8e: {  	[smem:$0x3FB5] =	sst s2  }
0x8f: {  	_ = 	snop  }
0x90: {  	s2 =	sld [smem:$0x3FD0];
	_ =	sdelay $0x2  }
0x91: {  	s15 =	simm.s32 $0xA;
	s4 =	simm.s32 $0x10  }
0x92: {  	[smem:s4], [sflag:s15] =	dma.local [hbm:s2], $0x1  }
0x93: {  	_ =	swait.eq [sflag:s15], $0x1  }
0x94: {  	[sflag:s15] =	ssyncset.done $0x0  }
0x95: {  	s16 =	sld [smem:$0x10];
	[sflag:s15] =	ssyncadd.s32 $0xFFFFFFFF  }
0x96: {  	s17 =	sld [smem:$0x11];
	(tm) =	ssettm $0x1  }
0x97: {  	s18 =	sld [smem:$0x3FFB];
	_ =	sdelay $0x3  }
0x98: {  	_ =	strace s18  }
0x99: {  	s4 =	sld [smem:$0x3FFC];
	_ =	sdelay $0x3  }
0x9a: {  	_ =	strace s4  }
0x9b: {  	s4 =	sld [smem:$0x3FFD];
	_ =	sdelay $0x3  }
0x9c: {  	_ =	strace s4  }
0x9d: {  	_ =	strace $0x8FFFFFFF  }
0x9e: {  	s19 =	sld [smem:$0x3FDB];
	_ =	sdelay $0x1  }
0x9f: {  	s5 =	simm.s32 $_scs_section_size  }
0xa0: {  	s6 =	simm.s32 $_size__tile_overlayer_lowered;
	s7 =	simm.s32 $_tile_overlayer_lowered  }
0xa1: {  	s22 =	simm.s32 $0x1BFF;
	s21 =	sshll.u32 s7, $0x1;
	s4 =	sadd.s32 s5, s19  }
0xa2: {  	s8 =	simm.s32 $0x0;
	s20 =	sshll.u32 s6, $0x1;
	s6 =	sadd.s32 s21, s4  }
0xa3: {  	[timem:s8], [sflag:s22] =	dma.local [hbm:s6], s20  }
0xa4: {  	_ =	swait.ge [sflag:s22], s20  }
0xa5: {  	s5 =	ssub.s32 $0x0, s20;
	[sflag:s22] =	ssyncset.done $0x0  }
0xa6: {  	[sflag:s22] =	ssyncadd.s32 s5;
	_ =	sdelay $0x1  }
0xa7: {  	s23 =	simm.s32 $0x1B8B  }
0xa8: {  	_ =	swait.ge [sflag:s23], $0x1  }
0xa9: {  	[sflag:s23] =	ssyncset.done $0x0  }
0xaa: {  	s25 =	simm.s32 $0x1B8E;
	s24 =	sld [smem:$0x3FFE];
	[sflag:s23] =	ssyncadd.s32 $0xFFFFFFFF  }
0xab: {  	s26 =	simm.s32 $execute0_lowered;
	[smem:$0x3FD2] =	sst s25  }
0xac: {  	s6 =	sshll.u32 s26, $0x1;
	_ =	strace $0x80000049;
	[dreg:$0x1] =	wrdreg $0xFFFFFFFF  }
0xad: {  	s28 =	simm.s32 $_size_execute0_lowered;
	s4 =	sadd.s32 s4, s6;
	[dreg:$0x0] =	wrdreg $0x0  }
0xae: {  	s6 =	sshll.u32 s28, $0x1;
	[dreg:$0x2] =	wrdreg s4  }
0xaf: {  	[dreg:$0x3] =	wrdreg s6  }
0xb0: {  	[dreg:$0x4] =	wrdreg $0xC0  }
0xb1: {  	_ =	task [dreg:s8], $0x5FFFF  }
0xb2: {  	[dreg:$0x1] =	wrdreg $0xFFFFFFFF  }
0xb3: {  	[dreg:$0x0] =	wrdreg $0x60  }
0xb4: {  	[dreg:$0x2] =	wrdreg s24  }
0xb5: {  	[dreg:$0x3] =	wrdreg s17  }
0xb6: {  	[dreg:$0x4] =	wrdreg s16  }
0xb7: {  	[dreg:$0x5] =	wrdreg $0xA1000  }
0xb8: {  	[dreg:$0x6] =	wrdreg $0x9  }
0xb9: {  	_ =	task.clear_ibuf [dreg:s8], $0x7FFFF;
	_ =	strace $0x90000049  }
0xba: {  	s29 =	simm.s32 $0x9;
	_ =	strace $0x8000004B  }
0xbb: {  	_ =	swait.ge [sflag:s29], $0x1  }
0xbc: {  	[sflag:s29] =	ssyncadd.s32 $0xFFFFFFFF  }
0xbd: {  	_ =	strace $0x9000004B  }
0xbe: {  	_ =	sfence  }
0xbf: {  	s30 =	sld [smem:$0x0];
	_ =	sdelay $0x2  }
0xc0: {  	s31 =	sshll.u32 s1, $0xD;
	s1 =	sshrl.u32 s1, $0x2  }
0xc1: {  	s3 =	sand.u32 $0x4000, s31;
	s1 =	sadd.s32 s1, s30  }
0xc2: {  	s0 =	sor.u32 s3, s0;
	s1 =	sshll.u32 s1, $0x11  }
0xc3: {  	s0 =	sor.u32 s1, s0  }
0xc4: {  	s0 =	sadd.s32 $0x8F2B, s0  }
0xc5: {  	[sflag:s0] =	ssyncadd.remote.s32 $0x1  }
0xc6: {  	_ =	sfence.sel $0xFFFF  }
0xc7: {  	[dreg:$0x0] =	wrdreg $0xFFFFFFFF;
	(pc) =	sbr.abs _section_cstart, $3  }
0xc8: {  	[dreg:$0x1] =	wrdreg $0xFFFFFFFF  }
0xc9: {  	_ =	task.clear_ibuf [dreg:s8], $0x2FFFF;
	_ =	strace $0x9FFFFFFF  }
0xca: {  	(tm) =	ssettm $0x7FFFFFFF  }
0xcb: {  	_ =	shalt  }
tec
execute0_lowered:
.L_overlay_start_1:
0x0: {  	(tag) =	ssettag $0x1  }
0x1: {  	s1 =	rddreg [dreg:$0x0]  }
0x2: {  	s0 =	rddreg [dreg:$0x1]  }
0x3: {  	s3 =	rddreg [dreg:$0x2];
	s2 =	srdreg.scid  }
0x4: {  	s4 =	rddreg [dreg:$0x3];
	s13 =	stileid.u32;
	s5 =	simm.s32 $0x0  }
0x5: {  	s28 =	simm.s32 $0x100;
	s29 =	simm.s32 $0x2900;
	s30 =	simm.s32 $0x1  }
0x6: {  	s31 =	simm.s32 $0x2;
	s2 =	sand.u32 $0x1, s2;
	s9 =	smul.u32 $0x1F400, s13  }
0x7: {  	[smem:$0x7FF] =	sst s5;
	s10 =	smul.u32 $0x7D000, s13;
	s6 =	sadd.s32 $0xB400, s1  }
0x8: {  	s7 =	sadd.s32 $0x1600, s1;
	p1 =	sgt.u32 s13, $0x9;
	s8 =	smul.u32 $0x138800, s2  }
0x9: {  	_ =	strace $0x8000004A;
	s19 =	ssub.s32 $0x2, s2;
	p0 =	seq.s32 s2, $0x1  }
0xa: {  	s2 =	simm.s32 $0x5100;
	s12 =	sshrl.u32 s19, $0x1;
	s8 =	sadd.s32 s9, s8  }
0xb: {  	s10 =	sshrl.u32 s10, $0x2;
	s9 =	ssub.s32 s19, s12;
	s11 =	sshrl.u32 s8, $0x3  }
0xc: {  	s8 =	sadd.s32 s10, s4;
	s20 =	smax.u32 s9, $0x1;
	s9 =	simm.s32 $0x3  }
0xd: {  	s1 =	sadd.s32 s11, s1;
	s10 =	sadd.s32 $0x1E000, s8;
	[dreg:$0x7] =	wrdreg s20  }
0xe: {  	s21 =	sadd.s32 $0x2800, s8;
	s22 =	sadd.s32 $0x5000, s8;
	[dreg:$0x5] =	wrdreg s10  }
0xf: {  	s23 =	sadd.s32 $0x7800, s8;
	s24 =	sadd.s32 $0xA000, s8;
	[dreg:$0x8] =	wrdreg s21  }
0x10: {  	s25 =	sadd.s32 $0xC800, s8;
	s26 =	sadd.s32 $0xF000, s8;
	[dreg:$0x9] =	wrdreg s22  }
0x11: {  	s19 =	sadd.s32 $0x11800, s8;
	s20 =	sadd.s32 $0x14000, s8;
	[dreg:$0xa] =	wrdreg s23  }
.Ltmp0:
0x12: {  	s11 =	simm.s32 $0x0;
	[dreg:$0xb] =	wrdreg s24;
	(pc) =	sbr.rel .LBB2_1-.Ltmp0, $4  }
0x13: {  	s10 =	smul.u32 $0x4E20, s13;
	s1 =	sadd.s32 $0x15200, s1;
	[dreg:$0xc] =	wrdreg s25  }
0x14: {  	[dreg:$0xd] =	wrdreg s26;
	s21 =	sadd.s32 $0x16800, s8;
	s22 =	sadd.s32 $0x19000, s8  }
0x15: {  	s23 =	sadd.s32 $0x1B800, s8;
	s24 =	simm.s32 $0x4;
	s25 =	simm.s32 $0x80  }
0x16: {  	v0 =	vimm.f32 $0.0e+00;
	s26 =	simm.s32 $0x50;
	[dreg:$0x6] =	wrdreg s1;
	s1 =	simm.s32 $0x7900  }
.LBB2_12:
0x17: {  	s12 =	stileid.u32  }
0x18: {  	[bflag:$0x0] =	sbarrier.arrive $0xFFFF;
	s12 =	sshll.u32 @!p1 s12, $0x6  }
0x19: {  	s13 =	sshrl.u32 @!p1 s8, $0x3;
	s14 =	rddreg [dreg:$0x6];
	s12 =	sor.u32 @!p1 $0x1C04, s12  }
0x1a: {  	[hbm:s14], [sflag:s12] =	dma.local @!p1 [spmem:s13], $0x3E80  }
0x1b: {  	s12 =	simm.s32 @!p1 $0x4  }
0x1c: {  	_ =	swait.ge @!p1 [sflag:s12], $0x3E80  }
0x1d: {  	s11 =	sadd.s32 $0x1, s11;
	s18 =	rddreg [dreg:$0x7]  }
0x1e: {  	p2 =	sne.s32 s11, s18  }
.Ltmp1:
0x1f: {  	_ = 	snop;
	(pc) =	sbr.rel @!p2 .LBB2_13-.Ltmp1, $3  }
0x20: {  	_ =	sdelay $0x1  }
0x21: {  	[sflag:s12] =	ssyncset.done @!p1 $0x0  }
0x22: {  	[sflag:s12] =	ssyncadd.s32 @!p1 $0xFFFFC180  }
.LBB2_1:
0x23: {  	s12 =	simm.s32 $0x0;
	s13 =	simm.s32 $0x200  }
.LBB2_2:
0x24: {  	p2 =	sne.s32 s13, $0x9E00;
	[tilespmem:s12+$0x7970] =	vst v0  }
0x25: {  	[tilespmem:s12+$0x7900] =	vst v0  }
0x26: {  	[tilespmem:s12+$0x7910] =	vst v0  }
.Ltmp2:
0x27: {  	[tilespmem:s12+$0x7920] =	vst v0;
	(pc) =	sbr.rel @p2 .LBB2_2-.Ltmp2, $4  }
0x28: {  	[tilespmem:s12+$0x7930] =	vst v0  }
0x29: {  	[tilespmem:s12+$0x7940] =	vst v0  }
0x2a: {  	[tilespmem:s12+$0x7950] =	vst v0  }
0x2b: {  	[tilespmem:s12+$0x7960] =	vst v0;
	s12 =	sshra.s32 s13, $0x2;
	s13 =	sadd.s32 $0x200, s13  }
0x2c: {  	[tilespmem:s12+$0x7970] =	vst v0  }
0x2d: {  	[tilespmem:s12+$0x7900] =	vst v0  }
0x2e: {  	[tilespmem:s12+$0x7910] =	vst v0  }
0x2f: {  	[tilespmem:s12+$0x7920] =	vst v0  }
0x30: {  	[tilespmem:s12+$0x7930] =	vst v0  }
0x31: {  	[tilespmem:s12+$0x7940] =	vst v0  }
0x32: {  	[tilespmem:s12+$0x7950] =	vst v0  }
0x33: {  	[tilespmem:s12+$0x7960] =	vst v0;
	s12 =	simm.s32 @!p1 $0x7900;
	s13 =	simm.s32 @!p1 $0x4  }
0x34: {  	[spmem:s8] =	stream.linear.scatter @!p1 [tilespmem:s12], [sflag:$0x4], $0x2800, $0x38;
	[tilespmem:$0x1D980] =	vst v63  }
0x35: {  	_ =	swait.ge @!p1 [sflag:s13], $0x2800  }
0x36: {  	[sflag:s13] =	ssyncset.done @!p1 $0x0  }
0x37: {  	s14 =	rddreg [dreg:$0x8];
	[sflag:s13] =	ssyncadd.s32 @!p1 $0xFFFFD800  }
0x38: {  	[spmem:s14] =	stream.linear.scatter @!p1 [tilespmem:s12], [sflag:$0x4], $0x2800, $0x38;
	[tilespmem:$0x1D980] =	vst v63  }
0x39: {  	_ =	swait.ge @!p1 [sflag:s13], $0x2800  }
0x3a: {  	[sflag:s13] =	ssyncset.done @!p1 $0x0  }
0x3b: {  	s14 =	rddreg [dreg:$0x9];
	[sflag:s13] =	ssyncadd.s32 @!p1 $0xFFFFD800  }
0x3c: {  	[spmem:s14] =	stream.linear.scatter @!p1 [tilespmem:s12], [sflag:$0x4], $0x2800, $0x38;
	[tilespmem:$0x1D980] =	vst v63  }
0x3d: {  	_ =	swait.ge @!p1 [sflag:s13], $0x2800  }
0x3e: {  	[sflag:s13] =	ssyncset.done @!p1 $0x0  }
0x3f: {  	s14 =	rddreg [dreg:$0xa];
	[sflag:s13] =	ssyncadd.s32 @!p1 $0xFFFFD800  }
0x40: {  	[spmem:s14] =	stream.linear.scatter @!p1 [tilespmem:s12], [sflag:$0x4], $0x2800, $0x38;
	[tilespmem:$0x1D980] =	vst v63  }
0x41: {  	_ =	swait.ge @!p1 [sflag:s13], $0x2800  }
0x42: {  	[sflag:s13] =	ssyncset.done @!p1 $0x0  }
0x43: {  	s14 =	rddreg [dreg:$0xb];
	[sflag:s13] =	ssyncadd.s32 @!p1 $0xFFFFD800  }
0x44: {  	[spmem:s14] =	stream.linear.scatter @!p1 [tilespmem:s12], [sflag:$0x4], $0x2800, $0x38;
	[tilespmem:$0x1D980] =	vst v63  }
0x45: {  	_ =	swait.ge @!p1 [sflag:s13], $0x2800  }
0x46: {  	[sflag:s13] =	ssyncset.done @!p1 $0x0  }
0x47: {  	s14 =	rddreg [dreg:$0xc];
	[sflag:s13] =	ssyncadd.s32 @!p1 $0xFFFFD800  }
0x48: {  	[spmem:s14] =	stream.linear.scatter @!p1 [tilespmem:s12], [sflag:$0x4], $0x2800, $0x38;
	[tilespmem:$0x1D980] =	vst v63  }
0x49: {  	_ =	swait.ge @!p1 [sflag:s13], $0x2800  }
0x4a: {  	[sflag:s13] =	ssyncset.done @!p1 $0x0  }
0x4b: {  	s14 =	rddreg [dreg:$0xd];
	[sflag:s13] =	ssyncadd.s32 @!p1 $0xFFFFD800  }
0x4c: {  	[spmem:s14] =	stream.linear.scatter @!p1 [tilespmem:s12], [sflag:$0x4], $0x2800, $0x38;
	[tilespmem:$0x1D980] =	vst v63  }
0x4d: {  	_ =	swait.ge @!p1 [sflag:s13], $0x2800  }
0x4e: {  	[sflag:s13] =	ssyncset.done @!p1 $0x0  }
0x4f: {  	[sflag:s13] =	ssyncadd.s32 @!p1 $0xFFFFD800  }
0x50: {  	[spmem:s19] =	stream.linear.scatter @!p1 [tilespmem:s12], [sflag:$0x4], $0x2800, $0x38;
	[tilespmem:$0x1D980] =	vst v63  }
0x51: {  	_ =	swait.ge @!p1 [sflag:s13], $0x2800  }
0x52: {  	[sflag:s13] =	ssyncset.done @!p1 $0x0  }
0x53: {  	[sflag:s13] =	ssyncadd.s32 @!p1 $0xFFFFD800  }
0x54: {  	[spmem:s20] =	stream.linear.scatter @!p1 [tilespmem:s12], [sflag:$0x4], $0x2800, $0x38;
	[tilespmem:$0x1D980] =	vst v63  }
0x55: {  	_ =	swait.ge @!p1 [sflag:s13], $0x2800  }
0x56: {  	[sflag:s13] =	ssyncset.done @!p1 $0x0  }
0x57: {  	[sflag:s13] =	ssyncadd.s32 @!p1 $0xFFFFD800  }
0x58: {  	[spmem:s21] =	stream.linear.scatter @!p1 [tilespmem:s12], [sflag:$0x4], $0x2800, $0x38;
	[tilespmem:$0x1D980] =	vst v63  }
0x59: {  	_ =	swait.ge @!p1 [sflag:s13], $0x2800  }
0x5a: {  	[sflag:s13] =	ssyncset.done @!p1 $0x0  }
0x5b: {  	[sflag:s13] =	ssyncadd.s32 @!p1 $0xFFFFD800  }
0x5c: {  	[spmem:s22] =	stream.linear.scatter @!p1 [tilespmem:s12], [sflag:$0x4], $0x2800, $0x38;
	[tilespmem:$0x1D980] =	vst v63  }
0x5d: {  	_ =	swait.ge @!p1 [sflag:s13], $0x2800  }
0x5e: {  	[sflag:s13] =	ssyncset.done @!p1 $0x0  }
0x5f: {  	[sflag:s13] =	ssyncadd.s32 @!p1 $0xFFFFD800  }
0x60: {  	[spmem:s23] =	stream.linear.scatter @!p1 [tilespmem:s12], [sflag:$0x4], $0x2800, $0x38;
	[tilespmem:$0x1D980] =	vst v63  }
0x61: {  	_ =	swait.ge @!p1 [sflag:s13], $0x2800  }
0x62: {  	[sflag:s13] =	ssyncset.done @!p1 $0x0  }
0x63: {  	s14 =	rddreg [dreg:$0x5];
	[sflag:s13] =	ssyncadd.s32 @!p1 $0xFFFFD800  }
0x64: {  	[spmem:s14] =	stream.linear.scatter @!p1 [tilespmem:s12], [sflag:$0x4], $0x1400, $0x38;
	[tilespmem:$0x1D980] =	vst v63  }
.Ltmp3:
0x65: {  	_ =	swait.ge @!p1 [sflag:s13], $0x1400;
	(pc) =	sbr.rel .LBB2_4-.Ltmp3, $4  }
0x66: {  	[sflag:s13] =	ssyncset.done @!p1 $0x0  }
0x67: {  	[sflag:s13] =	ssyncadd.s32 @!p1 $0xFFFFEC00  }
0x68: {  	[bflag:$0x0] =	sbarrier.arrive $0xFFFF  }
0x69: {  	s12 =	simm.s32 $0x0  }
.LBB2_7:
0x6a: {  	v2 =	vadd.f32 v3, v2;
	_ =	sdelay $0x1  }
0x6b: {  	v3 =	vmul.f32 $2.000000030e-01, v2;
	_ =	sdelay $0x1  }
0x6c: {  	v2 =	vmax.f32 v2, v3  }
0x6d: {  	v5 =	vmul.f32 $1.442695020e+00, v5;
	v6 =	vld [tilespmem:s15+$0x5100];
	v2 =	vmul.f32 $1.442695020e+00, v2;
	_ =	sdelay $0x1  }
0x6e: {  	(erf) = vpow2.f32 v5  }
0x6f: {  	v1 =	vmul.f32 v4, v1;
	(erf) = vpow2.f32 v2  }
0x70: {  	v2 =	vpop (erf)  }
0x71: {  	[tilespmem:s13+$0x7900] =	vst v1;
	v1 =	vmul.f32 v2, v6;
	_ =	sdelay $0x1  }
0x72: {  	v2 =	vld [tilespmem:s14+$0x5100];
	[tilespmem:s15+$0x7900] =	vst v1  }
0x73: {  	v1 =	vld [tilespmem:s16+$0x5100];
	_ =	sdelay $0x2  }
0x74: {  	v3 =	vpop (erf)  }
0x75: {  	v2 =	vmul.f32 v3, v2;
	v3 =	vpop (erf)  }
0x76: {  	v1 =	vmul.f32 v3, v1  }
0x77: {  	[tilespmem:s14+$0x7900] =	vst v2  }
0x78: {  	[tilespmem:s16+$0x7900] =	vst v1  }
.LBB2_11:
0x79: {  	s12 =	sadd.s32 $0x1, s12  }
0x7a: {  	p2 =	sne.s32 s12, $0xFA  }
.Ltmp4:
0x7b: {  	_ = 	snop;
	(pc) =	sbr.rel @!p2 .LBB2_12-.Ltmp4, $4  }
0x7c: {  	[spmem:s4] =	stream.indirect.scatter.add.f32 [tilespmem:s1], [sflag:$0x4], $0x80, s25, s26, $0xb8;
	[tilespmem:$0x1D980] =	vst v63  }
0x7d: {  	_ =	swait.ge [sflag:s24], $0x2800  }
0x7e: {  	[sflag:s24] =	ssyncset.done $0x0  }
0x7f: {  	[sflag:s24] =	ssyncadd.s32 $0xFFFFD800  }
.LBB2_4:
0x80: {  	s13 =	smul.u32 $0x50, s12;
	_ =	sdelay $0x1  }
0x81: {  	s13 =	sadd.s32 s10, s13  }
0x82: {  	s13 =	sshrl.u32 s13, $0x3  }
0x83: {  	s14 =	sadd.s32 s6, s13  }
0x84: {  	[tilespmem:s5], [sflag:$0x4] =	stream.linear.gather [hbm4b:s14+s5], $0x50, $0x38;
	[tilespmem:$0x1D980] =	vst v63  }
0x85: {  	_ =	swait.ge [sflag:s24], $0x50  }
0x86: {  	[sflag:s24] =	ssyncset.done $0x0  }
0x87: {  	s13 =	sadd.s32 s7, s13;
	[sflag:s24] =	ssyncadd.s32 $0xFFFFFFB0  }
0x88: {  	[tilespmem:s25], [sflag:$0x4] =	stream.linear.gather [hbm4b:s13+s5], $0x50, $0x38;
	[tilespmem:$0x1D980] =	vst v63  }
0x89: {  	_ =	swait.ge [sflag:s24], $0x50  }
.Ltmp5:
0x8a: {  	[sflag:s24] =	ssyncset.done $0x0;
	(pc) =	sbr.rel @!p0 .LBB2_5-.Ltmp5, $4  }
0x8b: {  	[sflag:s24] =	ssyncadd.s32 $0xFFFFFFB0  }
0x8c: {  	[tilespmem:s28], [sflag:$0x1] =	stream.indirect.gather [hbm4b:s0+s26], $0x80, s5, s26, $0xb8;
	[tilespmem:$0x1D980] =	vst v63  }
0x8d: {  	_ = 	snop  }
0x8e: {  	[tilespmem:s29], [sflag:$0x2] =	stream.indirect.gather [hbm4b:s0+s26], $0x80, s25, s26, $0xb8;
	[tilespmem:$0x1D980] =	vst v63  }
0x8f: {  	_ =	swait.ge [sflag:s30], $0x2800  }
0x90: {  	[sflag:s30] =	ssyncset.done $0x0  }
0x91: {  	[sflag:s30] =	ssyncadd.s32 $0xFFFFD800  }
0x92: {  	_ =	swait.ge [sflag:s31], $0x2800  }
0x93: {  	[sflag:s31] =	ssyncset.done $0x0  }
0x94: {  	s13 =	simm.s32 $0x0;
	[sflag:s31] =	ssyncadd.s32 $0xFFFFD800  }
0x95: {  	v1 =	vld [tilespmem:s13+$0x100]  }
0x96: {  	v2 =	vld [tilespmem:s13+$0x2910];
	_ =	sdelay $0x4  }
0x97: {  	v1 =	vadd.f32 v2, v1;
	_ =	sdelay $0x1  }
0x98: {  	s14 =	simm.s32 $0x80;
	v2 =	vmul.f32 $2.000000030e-01, v1  }
0x99: {  	v3 =	vld [tilespmem:s14+$0x100]  }
0x9a: {  	v4 =	vld [tilespmem:s14+$0x2910];
	v1 =	vmax.f32 v1, v2  }
0x9b: {  	s16 =	simm.s32 $0x100;
	v1 =	vmul.f32 $1.442695020e+00, v1  }
0x9c: {  	v2 =	vld [tilespmem:s16+$0x100]  }
0x9d: {  	(erf) = vpow2.f32 v1;
	v1 =	vld [tilespmem:s16+$0x2910];
	_ =	sdelay $0x1  }
0x9e: {  	v3 =	vadd.f32 v4, v3;
	_ =	sdelay $0x1  }
0x9f: {  	v4 =	vmul.f32 $2.000000030e-01, v3  }
0xa0: {  	v5 =	vadd.f32 v1, v2  }
0xa1: {  	v1 =	vmax.f32 v3, v4  }
0xa2: {  	s15 =	simm.s32 $0x180;
	v2 =	vmul.f32 $1.442695020e+00, v1;
	v3 =	vmul.f32 $2.000000030e-01, v5  }
0xa3: {  	v1 =	vld [tilespmem:s15+$0x100]  }
0xa4: {  	(erf) = vpow2.f32 v2;
	v2 =	vld [tilespmem:s15+$0x2910];
	_ =	sdelay $0x1  }
0xa5: {  	s17 =	simm.s32 $0x800;
	v4 =	vmax.f32 v5, v3;
	v3 =	vpop (erf)  }
.LBB2_9:
0xa6: {  	s18 =	sshra.s32 s17, $0x2  }
0xa7: {  	v4 =	vmul.f32 $1.442695020e+00, v4;
	[tilespmem:s13+$0x7900] =	vst v3;
	s13 =	smov.u32 s14;
	s14 =	smov.u32 s16;
	p2 =	sne.s32 s17, $0x9E00  }
.Ltmp6:
0xa8: {  	s17 =	sadd.s32 $0x200, s17;
	v3 =	vadd.f32 v2, v1;
	v1 =	vld [tilespmem:s18+$0x100];
	(pc) =	sbr.rel @p2 .LBB2_9-.Ltmp6, $3  }
0xa9: {  	s16 =	smov.u32 s15;
	s15 =	smov.u32 s18;
	v2 =	vld [tilespmem:s18+$0x2910];
	(erf) = vpow2.f32 v4  }
0xaa: {  	v4 =	vmul.f32 $2.000000030e-01, v3;
	_ =	sdelay $0x1  }
0xab: {  	v4 =	vmax.f32 v3, v4;
	v3 =	vpop (erf)  }
0xac: {  	_ = 	snop  }
0xad: {  	v1 =	vadd.f32 v2, v1;
	_ =	sdelay $0x1  }
0xae: {  	v2 =	vmul.f32 $2.000000030e-01, v1;
	_ =	sdelay $0x1  }
0xaf: {  	v4 =	vmul.f32 $1.442695020e+00, v4;
	v1 =	vmax.f32 v1, v2  }
0xb0: {  	v1 =	vmul.f32 $1.442695020e+00, v1  }
0xb1: {  	(erf) = vpow2.f32 v4  }
0xb2: {  	(erf) = vpow2.f32 v1;
	_ =	sdelay $0x5  }
.Ltmp7:
0xb3: {  	_ = 	snop;
	(pc) =	sbr.rel .LBB2_11-.Ltmp7, $4  }
0xb4: {  	[tilespmem:s13+$0x7900] =	vst v3;
	v1 =	vpop (erf)  }
0xb5: {  	[tilespmem:s14+$0x7900] =	vst v1;
	v1 =	vpop (erf)  }
0xb6: {  	[tilespmem:s16+$0x7900] =	vst v1;
	v1 =	vpop (erf)  }
0xb7: {  	[tilespmem:s15+$0x7900] =	vst v1  }
.LBB2_5:
0xb8: {  	s13 =	simm.s32 $0x0  }
0xb9: {  	[tilespmem:s2], [sflag:$0x3] =	stream.indirect.gather [hbm4b:s3+s26], $0x80, s13, s26, $0xb8;
	[tilespmem:$0x1D980] =	vst v63  }
0xba: {  	_ =	swait.ge [sflag:s30], $0x2800  }
0xbb: {  	[sflag:s30] =	ssyncset.done $0x0  }
0xbc: {  	[sflag:s30] =	ssyncadd.s32 $0xFFFFD800  }
0xbd: {  	_ =	swait.ge [sflag:s31], $0x2800  }
0xbe: {  	[sflag:s31] =	ssyncset.done $0x0  }
0xbf: {  	[sflag:s31] =	ssyncadd.s32 $0xFFFFD800  }
0xc0: {  	_ =	swait.ge [sflag:s9], $0x2800  }
0xc1: {  	[sflag:s9] =	ssyncset.done $0x0  }
0xc2: {  	s13 =	simm.s32 $0x0;
	[sflag:s9] =	ssyncadd.s32 $0xFFFFD800  }
0xc3: {  	v1 =	vld [tilespmem:s13+$0x100]  }
0xc4: {  	v2 =	vld [tilespmem:s13+$0x2910];
	_ =	sdelay $0x4  }
0xc5: {  	s15 =	simm.s32 $0x80;
	v1 =	vadd.f32 v2, v1  }
0xc6: {  	v3 =	vld [tilespmem:s15+$0x100]  }
0xc7: {  	v4 =	vld [tilespmem:s15+$0x2910];
	v2 =	vmul.f32 $2.000000030e-01, v1;
	_ =	sdelay $0x1  }
0xc8: {  	v1 =	vmax.f32 v1, v2  }
0xc9: {  	s14 =	simm.s32 $0x100;
	v1 =	vmul.f32 $1.442695020e+00, v1  }
0xca: {  	v5 =	vld [tilespmem:s14+$0x2910]  }
0xcb: {  	v2 =	vld [tilespmem:s14+$0x100];
	(erf) = vpow2.f32 v1;
	v1 =	vadd.f32 v4, v3;
	_ =	sdelay $0x1  }
0xcc: {  	v3 =	vmul.f32 $2.000000030e-01, v1;
	_ =	sdelay $0x1  }
0xcd: {  	s16 =	simm.s32 $0x180;
	v1 =	vmax.f32 v1, v3  }
0xce: {  	v4 =	vadd.f32 v5, v2;
	v2 =	vld [tilespmem:s16+$0x100];
	v3 =	vmul.f32 $1.442695020e+00, v1  }
0xcf: {  	v1 =	vld [tilespmem:s13+$0x5100]  }
0xd0: {  	(erf) = vpow2.f32 v3;
	v3 =	vld [tilespmem:s16+$0x2910]  }
0xd1: {  	v5 =	vmul.f32 $2.000000030e-01, v4;
	_ =	sdelay $0x1  }
0xd2: {  	s17 =	simm.s32 $0x800;
	v5 =	vmax.f32 v4, v5;
	v4 =	vpop (erf)  }
.LBB2_6:
0xd3: {  	s18 =	sshra.s32 s17, $0x2;
	v5 =	vmul.f32 $1.442695020e+00, v5;
	v4 =	vmul.f32 v4, v1;
	v1 =	vld [tilespmem:s15+$0x5100];
	p2 =	seq.s32 s17, $0x9E00  }
.Ltmp8:
0xd4: {  	s17 =	sadd.s32 $0x200, s17;
	v6 =	vadd.f32 v3, v2;
	v2 =	vld [tilespmem:s18+$0x100];
	(pc) =	sbr.rel @!p2 .LBB2_6-.Ltmp8, $3  }
0xd5: {  	v3 =	vld [tilespmem:s18+$0x2910];
	(erf) = vpow2.f32 v5;
	[tilespmem:s13+$0x7900] =	vst v4;
	s13 =	smov.u32 s15;
	s15 =	smov.u32 s14;
	s14 =	smov.u32 s16  }
0xd6: {  	v7 =	vmul.f32 $2.000000030e-01, v6;
	s16 =	smov.u32 s18;
	_ =	sdelay $0x1  }
0xd7: {  	v5 =	vmax.f32 v6, v7;
	v4 =	vpop (erf)  }
.Ltmp9:
0xd8: {  	_ = 	snop;
	(pc) =	sbr.rel .LBB2_7-.Ltmp9, $1  }
0xd9: {  	_ =	sdelay $0x3  }
.LBB2_13:
0xda: {  	_ =	sfence.sel $0x180000  }
0xdb: {  	[bflag:$0x0] =	sbarrier.arrive $0xFFFF  }
0xdc: {  	_ =	strace $0x9000004A  }
0xdd: {  	s0 =	stileid.u32;
	[bflag:$0x2] =	sbarrier.arrive $0xFFFF  }
0xde: {  	p0 =	sne.s32 s0, $0x0;
	s0 =	rddreg [dreg:$0x4]  }
0xdf: {  	s0 =	sadd.s32 @!p0 $0x100000, s0  }
0xe0: {  	[sflag:s0] =	ssyncadd.tile.s32 @!p0 $0x1;
	_ =	shalt  }
.Lfunc_end2:
_tile_overlayer_lowered:
.L_overlay_start_2:
0xe1: {  	(tag) =	ssettag $0x2  }
0xe2: {  	s0 =	rddreg [dreg:$0x0];
	s2 =	stileid.u32  }
0xe3: {  	s1 =	rddreg [dreg:$0x1];
	p0 =	sne.s32 s2, $0x0  }
0xe4: {  	s3 =	rddreg [dreg:$0x2];
	[bflag:$0x3] =	sbarrier.arrive $0xFFFF;
	s2 =	simm.s32 @!p0 $0x1C04  }
0xe5: {  	[timem:s3], [sflag:s2] =	dma.local @!p0 [hbm:s0], s1  }
0xe6: {  	s0 =	simm.s32 @!p0 $0x4  }
0xe7: {  	_ =	swait.ge @!p0 [sflag:s0], s1  }
0xe8: {  	s1 =	ssub.s32 @!p0 $0x0, s1;
	[sflag:s0] =	ssyncset.done @!p0 $0x0  }
0xe9: {  	[sflag:s0] =	ssyncadd.s32 @!p0 s1  }
0xea: {  	[bflag:$0x3] =	sbarrier.arrive $0xFFFF  }
0xeb: {  	_ =	shalt  }

// kernel: kernel.7.cloned.1.call-start
scs
__scs_entry_jumppad:
0x0: {  	(pc) =	sbr.rel $0x88, $3  }
0x1: {  	(tag) =	ssettag $0x0;
	lr =	simm.s32 $0x1  }
0x2: {  	[smem:$0x3F8E] =	sst lr;
	_ =	strace $0xD0000000  }
0x3: {  	_ = 	snop  }
0x4: {  	_ = 	snop  }
0x5: {  	_ = 	snop  }
0x6: {  	_ = 	snop  }
0x7: {  	_ = 	snop  }
__scs_overlays_trampoline_lowered:
0x8: {  	[smem:$0x3F9D] =	sst s0  }
0x9: {  	[smem:$0x3F9E] =	sst s1  }
0xa: {  	[smem:$0x3F9F] =	sst s2  }
0xb: {  	[smem:$0x3FA0] =	sst s3  }
0xc: {  	[smem:$0x3FA1] =	sst s4  }
0xd: {  	[smem:$0x3FA2] =	sst s5  }
0xe: {  	[smem:$0x3FA3] =	sst s6  }
0xf: {  	[smem:$0x3FA4] =	sst s7  }
0x10: {  	[smem:$0x3FA5] =	sst s8  }
0x11: {  	[smem:$0x3FA6] =	sst s9;
	s0 =	simm.s32 @!p0 $0x0  }
0x12: {  	s1 =	sld [smem:$0x3F8C];
	s0 =	simm.s32 @p0 $0x1  }
0x13: {  	[smem:$0x3FA7] =	sst s0;
	s0 =	simm.s32 @!p1 $0x0  }
0x14: {  	s2 =	sld [smem:$0x3F8B];
	s0 =	simm.s32 @p1 $0x1  }
0x15: {  	[smem:$0x3FA8] =	sst s0;
	s0 =	simm.s32 @!p2 $0x0  }
0x16: {  	s3 =	sld [smem:$0x3FDB];
	s0 =	simm.s32 @p2 $0x1  }
0x17: {  	s4 =	simm.s32 $0x1BF5;
	[smem:$0x3FAA] =	sst s0  }
0x18: {  	s0 =	sld [smem:$0x3F8D];
	_ =	swait.ge [sflag:s4], $0x0  }
0x19: {  	s7 =	sld [smem:$0x3F8E]  }
0x1a: {  	s8 =	sadd.s32 $0xFFFFE003, lr  }
0x1b: {  	s9 =	sadd.s32 $0xFFFFFEF7, lr;
	s5 =	simm.s32 $0xFFFFFFFF;
	p2 =	slt.u32 s8, $0xFFFFF086  }
0x1c: {  	p1 =	slt.u32 s9, $0xF7A;
	s5 =	simm.s32 @!p2 $0x0  }
0x1d: {  	s5 =	simm.s32 @p1 $0x1;
	p0 =	seq.s32 s7, s2  }
0x1e: {  	s7 =	smul.u32 @!p0 $0xF7A, s2;
	p2 =	seq.s32 @!p0 s5, $0x0  }
0x1f: {  	s9 =	smul.u32 $0xF7A, s1;
	s8 =	simm.s32 @!p0 $0x1BF5;
	p2 =	por !p2, p0  }
0x20: {  	[sflag:s8] =	ssyncset.s32 @!p0 $0xFFFFF086;
	s6 =	sadd.s32 @!p0 s3, s7;
	s7 =	simm.s32 @!p0 $0x108  }
0x21: {  	s3 =	sadd.s32 s3, s9;
	s6 =	sadd.s32 @!p0 $0x88, s6;
	s7 =	simm.s32 @p2 $0x1082  }
0x22: {  	[simem:s7], [sflag:s8] =	dma.local @!p0 [hbm:s6], $0xF7A  }
0x23: {  	s9 =	sor.u32 $0xD0000000, s2;
	s6 =	simm.s32 $0x108;
	_ =	swait.ge @!p0 [sflag:s8], $0x0  }
0x24: {  	s3 =	sadd.s32 $0x88, s3;
	s6 =	simm.s32 @!p1 $0x1082;
	[sflag:s4] =	ssyncset.s32 $0xFFFFF086  }
0x25: {  	[simem:s6], [sflag:s4] =	dma.local [hbm:s3], $0xF7A  }
0x26: {  	[smem:$0x3F8E] =	sst s1;
	(tag) =	ssettag s2;
	_ =	strace s9  }
0x27: {  	s1 =	sld [smem:$0x3F9E]  }
0x28: {  	s2 =	sld [smem:$0x3F9F]  }
0x29: {  	s4 =	sld [smem:$0x3FA1]  }
0x2a: {  	p0 =	seq.s32 s5, $0x0;
	s5 =	sld [smem:$0x3FA2]  }
0x2b: {  	s6 =	sld [smem:$0x3FA3]  }
0x2c: {  	s7 =	sld [smem:$0x3FA4]  }
0x2d: {  	s3 =	simm.s32 $0x108;
	s8 =	sld [smem:$0x3FA5]  }
0x2e: {  	s3 =	simm.s32 @!p0 $0x1082;
	s9 =	sld [smem:$0x3FA6]  }
0x2f: {  	lr =	sadd.s32 s0, s3;
	s0 =	sld [smem:$0x3F9D]  }
0x30: {  	s3 =	sld [smem:$0x3FA0]  }
0x31: {  	[smem:$0x3FA9] =	sst s10  }
0x32: {  	s10 =	sld [smem:$0x3FA7];
	_ =	sdelay $0x3  }
0x33: {  	p0 =	seq.s32 s10, $0x1;
	s10 =	sld [smem:$0x3FA9];
	_ =	sdelay $0x3  }
0x34: {  	[smem:$0x3FA9] =	sst s10  }
0x35: {  	s10 =	sld [smem:$0x3FA8];
	_ =	sdelay $0x3  }
0x36: {  	p1 =	seq.s32 s10, $0x1;
	s10 =	sld [smem:$0x3FA9];
	_ =	sdelay $0x3  }
0x37: {  	[smem:$0x3FA9] =	sst s10  }
0x38: {  	s10 =	sld [smem:$0x3FAA]  }
0x39: {  	_ = 	snop;
	(pc) =	sbr.ind lr, $3  }
0x3a: {  	_ = 	snop  }
0x3b: {  	_ = 	snop  }
0x3c: {  	p2 =	seq.s32 s10, $0x1;
	s10 =	sld [smem:$0x3FA9]  }
0x3d: {  	_ =	shalt  }
0x3e: {  	_ =	shalt  }
0x3f: {  	_ =	shalt  }
0x40: {  	_ =	shalt  }
0x41: {  	_ =	shalt  }
0x42: {  	_ =	shalt  }
0x43: {  	_ =	shalt  }
0x44: {  	_ =	shalt  }
0x45: {  	_ =	shalt  }
0x46: {  	_ =	shalt  }
0x47: {  	_ =	shalt  }
0x48: {  	_ =	shalt  }
0x49: {  	_ =	shalt  }
0x4a: {  	_ =	shalt  }
0x4b: {  	_ =	shalt  }
0x4c: {  	_ =	shalt  }
0x4d: {  	_ =	shalt  }
0x4e: {  	_ =	shalt  }
0x4f: {  	_ =	shalt  }
0x50: {  	_ =	shalt  }
0x51: {  	_ =	shalt  }
0x52: {  	_ =	shalt  }
0x53: {  	_ =	shalt  }
0x54: {  	_ =	shalt  }
0x55: {  	_ =	shalt  }
0x56: {  	_ =	shalt  }
0x57: {  	_ =	shalt  }
0x58: {  	_ =	shalt  }
0x59: {  	_ =	shalt  }
0x5a: {  	_ =	shalt  }
0x5b: {  	_ =	shalt  }
0x5c: {  	_ =	shalt  }
0x5d: {  	_ =	shalt  }
0x5e: {  	_ =	shalt  }
0x5f: {  	_ =	shalt  }
0x60: {  	_ =	shalt  }
0x61: {  	_ =	shalt  }
0x62: {  	_ =	shalt  }
0x63: {  	_ =	shalt  }
0x64: {  	_ =	shalt  }
0x65: {  	_ =	shalt  }
0x66: {  	_ =	shalt  }
0x67: {  	_ =	shalt  }
0x68: {  	_ =	shalt  }
0x69: {  	_ =	shalt  }
0x6a: {  	_ =	shalt  }
0x6b: {  	_ =	shalt  }
0x6c: {  	_ =	shalt  }
0x6d: {  	_ =	shalt  }
0x6e: {  	_ =	shalt  }
0x6f: {  	_ =	shalt  }
0x70: {  	_ =	shalt  }
0x71: {  	_ =	shalt  }
0x72: {  	_ =	shalt  }
0x73: {  	_ =	shalt  }
0x74: {  	_ =	shalt  }
0x75: {  	_ =	shalt  }
0x76: {  	_ =	shalt  }
0x77: {  	_ =	shalt  }
0x78: {  	_ =	shalt  }
0x79: {  	_ =	shalt  }
0x7a: {  	_ =	shalt  }
0x7b: {  	_ =	shalt  }
0x7c: {  	_ =	shalt  }
0x7d: {  	_ =	shalt  }
0x7e: {  	_ =	shalt  }
0x7f: {  	_ =	shalt  }
0x80: {  	_ =	shalt  }
0x81: {  	_ =	shalt  }
0x82: {  	_ =	shalt  }
0x83: {  	_ =	shalt  }
0x84: {  	_ =	shalt  }
0x85: {  	_ =	shalt  }
0x86: {  	_ =	shalt  }
0x87: {  	_ =	shalt  }
.Lfunc_end0:
.L_simem_size_0:
called_computation_lowered:
.L_overlay_start_0:
0x88: {  	s2 =	sld [smem:$0x3FD9]  }
0x89: {  	s3 =	sld [smem:$0x3FFE];
	_ =	sdelay $0x1  }
0x8a: {  	s1 =	srdreg.scid  }
0x8b: {  	s0 =	sand.u32 $0x1, s1  }
0x8c: {  	s14 =	sshll.u32 s0, $0xA;
	s2 =	sadd.s32 s3, s2  }
0x8d: {  	s2 =	sadd.s32 s2, s14  }
0x8e: {  	[smem:$0x3FB5] =	sst s2  }
0x8f: {  	_ = 	snop  }
0x90: {  	s2 =	sld [smem:$0x3FD0];
	_ =	sdelay $0x2  }
0x91: {  	s15 =	simm.s32 $0xA;
	s4 =	simm.s32 $0x10  }
0x92: {  	[smem:s4], [sflag:s15] =	dma.local [hbm:s2], $0x1  }
0x93: {  	_ =	swait.eq [sflag:s15], $0x1  }
0x94: {  	[sflag:s15] =	ssyncset.done $0x0  }
0x95: {  	s16 =	sld [smem:$0x10];
	[sflag:s15] =	ssyncadd.s32 $0xFFFFFFFF  }
0x96: {  	s17 =	sld [smem:$0x11];
	(tm) =	ssettm $0x1  }
0x97: {  	s18 =	sld [smem:$0x3FFB];
	_ =	sdelay $0x3  }
0x98: {  	_ =	strace s18  }
0x99: {  	s4 =	sld [smem:$0x3FFC];
	_ =	sdelay $0x3  }
0x9a: {  	_ =	strace s4  }
0x9b: {  	s4 =	sld [smem:$0x3FFD];
	_ =	sdelay $0x3  }
0x9c: {  	_ =	strace s4  }
0x9d: {  	_ =	strace $0x8FFFFFFF  }
0x9e: {  	s19 =	sld [smem:$0x3FDB];
	_ =	sdelay $0x1  }
0x9f: {  	s5 =	simm.s32 $_scs_section_size  }
0xa0: {  	s6 =	simm.s32 $_size__tile_overlayer_lowered;
	s7 =	simm.s32 $_tile_overlayer_lowered  }
0xa1: {  	s22 =	simm.s32 $0x1BFF;
	s21 =	sshll.u32 s7, $0x1;
	s4 =	sadd.s32 s5, s19  }
0xa2: {  	s8 =	simm.s32 $0x0;
	s20 =	sshll.u32 s6, $0x1;
	s6 =	sadd.s32 s21, s4  }
0xa3: {  	[timem:s8], [sflag:s22] =	dma.local [hbm:s6], s20  }
0xa4: {  	_ =	swait.ge [sflag:s22], s20  }
0xa5: {  	s5 =	ssub.s32 $0x0, s20;
	[sflag:s22] =	ssyncset.done $0x0  }
0xa6: {  	[sflag:s22] =	ssyncadd.s32 s5;
	_ =	sdelay $0x1  }
0xa7: {  	s23 =	simm.s32 $0x1B8B  }
0xa8: {  	_ =	swait.ge [sflag:s23], $0x1  }
0xa9: {  	[sflag:s23] =	ssyncset.done $0x0  }
0xaa: {  	s25 =	simm.s32 $0x1B8E;
	s24 =	sld [smem:$0x3FFE];
	[sflag:s23] =	ssyncadd.s32 $0xFFFFFFFF  }
0xab: {  	s26 =	simm.s32 $execute0_lowered;
	[smem:$0x3FD2] =	sst s25  }
0xac: {  	s6 =	sshll.u32 s26, $0x1;
	_ =	strace $0x80000046;
	[dreg:$0x1] =	wrdreg $0xFFFFFFFF  }
0xad: {  	s28 =	simm.s32 $_size_execute0_lowered;
	s4 =	sadd.s32 s4, s6;
	[dreg:$0x0] =	wrdreg $0x0  }
0xae: {  	s6 =	sshll.u32 s28, $0x1;
	[dreg:$0x2] =	wrdreg s4  }
0xaf: {  	[dreg:$0x3] =	wrdreg s6  }
0xb0: {  	[dreg:$0x4] =	wrdreg $0xC0  }
0xb1: {  	_ =	task [dreg:s8], $0x5FFFF  }
0xb2: {  	[dreg:$0x1] =	wrdreg $0xFFFFFFFF  }
0xb3: {  	[dreg:$0x0] =	wrdreg $0x60  }
0xb4: {  	[dreg:$0x2] =	wrdreg s24  }
0xb5: {  	[dreg:$0x3] =	wrdreg s17  }
0xb6: {  	[dreg:$0x4] =	wrdreg s16  }
0xb7: {  	[dreg:$0x5] =	wrdreg $0xA1000  }
0xb8: {  	[dreg:$0x6] =	wrdreg $0x9  }
0xb9: {  	_ =	task.clear_ibuf [dreg:s8], $0x7FFFF;
	_ =	strace $0x90000046  }
0xba: {  	s29 =	simm.s32 $0x9;
	_ =	strace $0x80000048  }
0xbb: {  	_ =	swait.ge [sflag:s29], $0x1  }
0xbc: {  	[sflag:s29] =	ssyncadd.s32 $0xFFFFFFFF  }
0xbd: {  	_ =	strace $0x90000048  }
0xbe: {  	_ =	sfence  }
0xbf: {  	s30 =	sld [smem:$0x0];
	_ =	sdelay $0x2  }
0xc0: {  	s31 =	sshll.u32 s1, $0xD;
	s1 =	sshrl.u32 s1, $0x2  }
0xc1: {  	s3 =	sand.u32 $0x4000, s31;
	s1 =	sadd.s32 s1, s30  }
0xc2: {  	s0 =	sor.u32 s3, s0;
	s1 =	sshll.u32 s1, $0x11  }
0xc3: {  	s0 =	sor.u32 s1, s0  }
0xc4: {  	s0 =	sadd.s32 $0x8F2B, s0  }
0xc5: {  	[sflag:s0] =	ssyncadd.remote.s32 $0x1  }
0xc6: {  	_ =	sfence.sel $0xFFFF  }
0xc7: {  	[dreg:$0x0] =	wrdreg $0xFFFFFFFF;
	(pc) =	sbr.abs _section_cstart, $3  }
0xc8: {  	[dreg:$0x1] =	wrdreg $0xFFFFFFFF  }
0xc9: {  	_ =	task.clear_ibuf [dreg:s8], $0x2FFFF;
	_ =	strace $0x9FFFFFFF  }
0xca: {  	(tm) =	ssettm $0x7FFFFFFF  }
0xcb: {  	_ =	shalt  }
tec
execute0_lowered:
.L_overlay_start_1:
0x0: {  	(tag) =	ssettag $0x1  }
0x1: {  	s1 =	rddreg [dreg:$0x0]  }
0x2: {  	s0 =	rddreg [dreg:$0x1]  }
0x3: {  	s3 =	rddreg [dreg:$0x2];
	s2 =	srdreg.scid  }
0x4: {  	s4 =	rddreg [dreg:$0x3];
	s13 =	stileid.u32;
	s5 =	simm.s32 $0x0  }
0x5: {  	s28 =	simm.s32 $0x100;
	s29 =	simm.s32 $0x2900;
	s30 =	simm.s32 $0x1  }
0x6: {  	s31 =	simm.s32 $0x2;
	s2 =	sand.u32 $0x1, s2;
	s9 =	smul.u32 $0x1F400, s13  }
0x7: {  	[smem:$0x7FF] =	sst s5;
	s10 =	smul.u32 $0x7D000, s13;
	s6 =	sadd.s32 $0xB400, s1  }
0x8: {  	s7 =	sadd.s32 $0x1600, s1;
	p1 =	sgt.u32 s13, $0x9;
	s8 =	smul.u32 $0x138800, s2  }
0x9: {  	_ =	strace $0x80000047;
	s19 =	ssub.s32 $0x2, s2;
	p0 =	seq.s32 s2, $0x1  }
0xa: {  	s2 =	simm.s32 $0x5100;
	s12 =	sshrl.u32 s19, $0x1;
	s8 =	sadd.s32 s9, s8  }
0xb: {  	s10 =	sshrl.u32 s10, $0x2;
	s9 =	ssub.s32 s19, s12;
	s11 =	sshrl.u32 s8, $0x3  }
0xc: {  	s8 =	sadd.s32 s10, s4;
	s20 =	smax.u32 s9, $0x1;
	s9 =	simm.s32 $0x3  }
0xd: {  	s1 =	sadd.s32 s11, s1;
	s10 =	sadd.s32 $0x1E000, s8;
	[dreg:$0x7] =	wrdreg s20  }
0xe: {  	s21 =	sadd.s32 $0x2800, s8;
	s22 =	sadd.s32 $0x5000, s8;
	[dreg:$0x5] =	wrdreg s10  }
0xf: {  	s23 =	sadd.s32 $0x7800, s8;
	s24 =	sadd.s32 $0xA000, s8;
	[dreg:$0x8] =	wrdreg s21  }
0x10: {  	s25 =	sadd.s32 $0xC800, s8;
	s26 =	sadd.s32 $0xF000, s8;
	[dreg:$0x9] =	wrdreg s22  }
0x11: {  	s19 =	sadd.s32 $0x11800, s8;
	s20 =	sadd.s32 $0x14000, s8;
	[dreg:$0xa] =	wrdreg s23  }
.Ltmp0:
0x12: {  	s11 =	simm.s32 $0x0;
	[dreg:$0xb] =	wrdreg s24;
	(pc) =	sbr.rel .LBB2_1-.Ltmp0, $4  }
0x13: {  	s10 =	smul.u32 $0x4E20, s13;
	s1 =	sadd.s32 $0x15200, s1;
	[dreg:$0xc] =	wrdreg s25  }
0x14: {  	[dreg:$0xd] =	wrdreg s26;
	s21 =	sadd.s32 $0x16800, s8;
	s22 =	sadd.s32 $0x19000, s8  }
0x15: {  	s23 =	sadd.s32 $0x1B800, s8;
	s24 =	simm.s32 $0x4;
	s25 =	simm.s32 $0x80  }
0x16: {  	v0 =	vimm.f32 $0.0e+00;
	s26 =	simm.s32 $0x50;
	[dreg:$0x6] =	wrdreg s1;
	s1 =	simm.s32 $0x7900  }
.LBB2_12:
0x17: {  	s12 =	stileid.u32  }
0x18: {  	[bflag:$0x0] =	sbarrier.arrive $0xFFFF;
	s12 =	sshll.u32 @!p1 s12, $0x6  }
0x19: {  	s13 =	sshrl.u32 @!p1 s8, $0x3;
	s14 =	rddreg [dreg:$0x6];
	s12 =	sor.u32 @!p1 $0x1C04, s12  }
0x1a: {  	[hbm:s14], [sflag:s12] =	dma.local @!p1 [spmem:s13], $0x3E80  }
0x1b: {  	s12 =	simm.s32 @!p1 $0x4  }
0x1c: {  	_ =	swait.ge @!p1 [sflag:s12], $0x3E80  }
0x1d: {  	s11 =	sadd.s32 $0x1, s11;
	s18 =	rddreg [dreg:$0x7]  }
0x1e: {  	p2 =	sne.s32 s11, s18  }
.Ltmp1:
0x1f: {  	_ = 	snop;
	(pc) =	sbr.rel @!p2 .LBB2_13-.Ltmp1, $3  }
0x20: {  	_ =	sdelay $0x1  }
0x21: {  	[sflag:s12] =	ssyncset.done @!p1 $0x0  }
0x22: {  	[sflag:s12] =	ssyncadd.s32 @!p1 $0xFFFFC180  }
.LBB2_1:
0x23: {  	s12 =	simm.s32 $0x0;
	s13 =	simm.s32 $0x200  }
.LBB2_2:
0x24: {  	p2 =	sne.s32 s13, $0x9E00;
	[tilespmem:s12+$0x7970] =	vst v0  }
0x25: {  	[tilespmem:s12+$0x7900] =	vst v0  }
0x26: {  	[tilespmem:s12+$0x7910] =	vst v0  }
.Ltmp2:
0x27: {  	[tilespmem:s12+$0x7920] =	vst v0;
	(pc) =	sbr.rel @p2 .LBB2_2-.Ltmp2, $4  }
0x28: {  	[tilespmem:s12+$0x7930] =	vst v0  }
0x29: {  	[tilespmem:s12+$0x7940] =	vst v0  }
0x2a: {  	[tilespmem:s12+$0x7950] =	vst v0  }
0x2b: {  	[tilespmem:s12+$0x7960] =	vst v0;
	s12 =	sshra.s32 s13, $0x2;
	s13 =	sadd.s32 $0x200, s13  }
0x2c: {  	[tilespmem:s12+$0x7970] =	vst v0  }
0x2d: {  	[tilespmem:s12+$0x7900] =	vst v0  }
0x2e: {  	[tilespmem:s12+$0x7910] =	vst v0  }
0x2f: {  	[tilespmem:s12+$0x7920] =	vst v0  }
0x30: {  	[tilespmem:s12+$0x7930] =	vst v0  }
0x31: {  	[tilespmem:s12+$0x7940] =	vst v0  }
0x32: {  	[tilespmem:s12+$0x7950] =	vst v0  }
0x33: {  	[tilespmem:s12+$0x7960] =	vst v0;
	s12 =	simm.s32 @!p1 $0x7900;
	s13 =	simm.s32 @!p1 $0x4  }
0x34: {  	[spmem:s8] =	stream.linear.scatter @!p1 [tilespmem:s12], [sflag:$0x4], $0x2800, $0x38;
	[tilespmem:$0x1D980] =	vst v63  }
0x35: {  	_ =	swait.ge @!p1 [sflag:s13], $0x2800  }
0x36: {  	[sflag:s13] =	ssyncset.done @!p1 $0x0  }
0x37: {  	s14 =	rddreg [dreg:$0x8];
	[sflag:s13] =	ssyncadd.s32 @!p1 $0xFFFFD800  }
0x38: {  	[spmem:s14] =	stream.linear.scatter @!p1 [tilespmem:s12], [sflag:$0x4], $0x2800, $0x38;
	[tilespmem:$0x1D980] =	vst v63  }
0x39: {  	_ =	swait.ge @!p1 [sflag:s13], $0x2800  }
0x3a: {  	[sflag:s13] =	ssyncset.done @!p1 $0x0  }
0x3b: {  	s14 =	rddreg [dreg:$0x9];
	[sflag:s13] =	ssyncadd.s32 @!p1 $0xFFFFD800  }
0x3c: {  	[spmem:s14] =	stream.linear.scatter @!p1 [tilespmem:s12], [sflag:$0x4], $0x2800, $0x38;
	[tilespmem:$0x1D980] =	vst v63  }
0x3d: {  	_ =	swait.ge @!p1 [sflag:s13], $0x2800  }
0x3e: {  	[sflag:s13] =	ssyncset.done @!p1 $0x0  }
0x3f: {  	s14 =	rddreg [dreg:$0xa];
	[sflag:s13] =	ssyncadd.s32 @!p1 $0xFFFFD800  }
0x40: {  	[spmem:s14] =	stream.linear.scatter @!p1 [tilespmem:s12], [sflag:$0x4], $0x2800, $0x38;
	[tilespmem:$0x1D980] =	vst v63  }
0x41: {  	_ =	swait.ge @!p1 [sflag:s13], $0x2800  }
0x42: {  	[sflag:s13] =	ssyncset.done @!p1 $0x0  }
0x43: {  	s14 =	rddreg [dreg:$0xb];
	[sflag:s13] =	ssyncadd.s32 @!p1 $0xFFFFD800  }
0x44: {  	[spmem:s14] =	stream.linear.scatter @!p1 [tilespmem:s12], [sflag:$0x4], $0x2800, $0x38;
	[tilespmem:$0x1D980] =	vst v63  }
0x45: {  	_ =	swait.ge @!p1 [sflag:s13], $0x2800  }
0x46: {  	[sflag:s13] =	ssyncset.done @!p1 $0x0  }
0x47: {  	s14 =	rddreg [dreg:$0xc];
	[sflag:s13] =	ssyncadd.s32 @!p1 $0xFFFFD800  }
0x48: {  	[spmem:s14] =	stream.linear.scatter @!p1 [tilespmem:s12], [sflag:$0x4], $0x2800, $0x38;
	[tilespmem:$0x1D980] =	vst v63  }
0x49: {  	_ =	swait.ge @!p1 [sflag:s13], $0x2800  }
0x4a: {  	[sflag:s13] =	ssyncset.done @!p1 $0x0  }
0x4b: {  	s14 =	rddreg [dreg:$0xd];
	[sflag:s13] =	ssyncadd.s32 @!p1 $0xFFFFD800  }
0x4c: {  	[spmem:s14] =	stream.linear.scatter @!p1 [tilespmem:s12], [sflag:$0x4], $0x2800, $0x38;
	[tilespmem:$0x1D980] =	vst v63  }
0x4d: {  	_ =	swait.ge @!p1 [sflag:s13], $0x2800  }
0x4e: {  	[sflag:s13] =	ssyncset.done @!p1 $0x0  }
0x4f: {  	[sflag:s13] =	ssyncadd.s32 @!p1 $0xFFFFD800  }
0x50: {  	[spmem:s19] =	stream.linear.scatter @!p1 [tilespmem:s12], [sflag:$0x4], $0x2800, $0x38;
	[tilespmem:$0x1D980] =	vst v63  }
0x51: {  	_ =	swait.ge @!p1 [sflag:s13], $0x2800  }
0x52: {  	[sflag:s13] =	ssyncset.done @!p1 $0x0  }
0x53: {  	[sflag:s13] =	ssyncadd.s32 @!p1 $0xFFFFD800  }
0x54: {  	[spmem:s20] =	stream.linear.scatter @!p1 [tilespmem:s12], [sflag:$0x4], $0x2800, $0x38;
	[tilespmem:$0x1D980] =	vst v63  }
0x55: {  	_ =	swait.ge @!p1 [sflag:s13], $0x2800  }
0x56: {  	[sflag:s13] =	ssyncset.done @!p1 $0x0  }
0x57: {  	[sflag:s13] =	ssyncadd.s32 @!p1 $0xFFFFD800  }
0x58: {  	[spmem:s21] =	stream.linear.scatter @!p1 [tilespmem:s12], [sflag:$0x4], $0x2800, $0x38;
	[tilespmem:$0x1D980] =	vst v63  }
0x59: {  	_ =	swait.ge @!p1 [sflag:s13], $0x2800  }
0x5a: {  	[sflag:s13] =	ssyncset.done @!p1 $0x0  }
0x5b: {  	[sflag:s13] =	ssyncadd.s32 @!p1 $0xFFFFD800  }
0x5c: {  	[spmem:s22] =	stream.linear.scatter @!p1 [tilespmem:s12], [sflag:$0x4], $0x2800, $0x38;
	[tilespmem:$0x1D980] =	vst v63  }
0x5d: {  	_ =	swait.ge @!p1 [sflag:s13], $0x2800  }
0x5e: {  	[sflag:s13] =	ssyncset.done @!p1 $0x0  }
0x5f: {  	[sflag:s13] =	ssyncadd.s32 @!p1 $0xFFFFD800  }
0x60: {  	[spmem:s23] =	stream.linear.scatter @!p1 [tilespmem:s12], [sflag:$0x4], $0x2800, $0x38;
	[tilespmem:$0x1D980] =	vst v63  }
0x61: {  	_ =	swait.ge @!p1 [sflag:s13], $0x2800  }
0x62: {  	[sflag:s13] =	ssyncset.done @!p1 $0x0  }
0x63: {  	s14 =	rddreg [dreg:$0x5];
	[sflag:s13] =	ssyncadd.s32 @!p1 $0xFFFFD800  }
0x64: {  	[spmem:s14] =	stream.linear.scatter @!p1 [tilespmem:s12], [sflag:$0x4], $0x1400, $0x38;
	[tilespmem:$0x1D980] =	vst v63  }
.Ltmp3:
0x65: {  	_ =	swait.ge @!p1 [sflag:s13], $0x1400;
	(pc) =	sbr.rel .LBB2_4-.Ltmp3, $4  }
0x66: {  	[sflag:s13] =	ssyncset.done @!p1 $0x0  }
0x67: {  	[sflag:s13] =	ssyncadd.s32 @!p1 $0xFFFFEC00  }
0x68: {  	[bflag:$0x0] =	sbarrier.arrive $0xFFFF  }
0x69: {  	s12 =	simm.s32 $0x0  }
.LBB2_7:
0x6a: {  	v20 =	vld [tilespmem:s16+$0x2910];
	[tilespmem:s15+$0x7950] =	vst v18;
	v19 =	vmul.f32 $1.442695020e+00, v19  }
0x6b: {  	v52 =	vpop (erf);
	v18 =	vld [tilespmem:s16+$0x5100];
	[tilespmem:s15+$0x7960] =	vst v17  }
0x6c: {  	v16 =	vmul.f32 v16, v52;
	v21 =	vld [tilespmem:s16+$0x5110];
	(erf) = vpow2.f32 v19  }
0x6d: {  	v9 =	vmul.f32 v52, v9;
	v22 =	vld [tilespmem:s16+$0x5120]  }
0x6e: {  	v8 =	vmul.f32 v52, v8;
	v23 =	vld [tilespmem:s16+$0x5130];
	[tilespmem:s14+$0x7970] =	vst v16  }
0x6f: {  	v16 =	vld [tilespmem:s16+$0x5140];
	[tilespmem:s14+$0x7900] =	vst v9;
	v53 =	vadd.f32 v20, v15  }
0x70: {  	v54 =	vld [tilespmem:s16+$0x5150];
	[tilespmem:s14+$0x7910] =	vst v8  }
0x71: {  	v7 =	vmul.f32 v52, v7;
	v56 =	vld [tilespmem:s13+$0x5170];
	v55 =	vmul.f32 $2.000000030e-01, v53  }
0x72: {  	v4 =	vmul.f32 v4, v52  }
0x73: {  	v6 =	vmul.f32 v6, v52;
	[tilespmem:s14+$0x7920] =	vst v7;
	v8 =	vmax.f32 v53, v55  }
0x74: {  	v5 =	vmul.f32 v5, v52;
	v7 =	vld [tilespmem:s16+$0x5160];
	[tilespmem:s14+$0x7930] =	vst v4;
	v57 =	vmul.f32 $1.442695020e+00, v8  }
0x75: {  	v3 =	vmul.f32 v3, v52;
	[tilespmem:s14+$0x7940] =	vst v6;
	v58 =	vpop (erf)  }
0x76: {  	[tilespmem:s14+$0x7950] =	vst v5;
	(erf) = vpow2.f32 v57;
	v59 =	vmul.f32 v56, v58  }
0x77: {  	[tilespmem:s14+$0x7960] =	vst v3;
	v3 =	vmul.f32 v58, v10  }
0x78: {  	v60 =	vmul.f32 v58, v13;
	[tilespmem:s13+$0x7970] =	vst v59  }
0x79: {  	[tilespmem:s13+$0x7900] =	vst v3  }
0x7a: {  	[tilespmem:s13+$0x7910] =	vst v60  }
0x7b: {  	v1 =	vmul.f32 v1, v58;
	v3 =	vmul.f32 v58, v12;
	v4 =	vld [tilespmem:s16+$0x5170]  }
0x7c: {  	v61 =	vmul.f32 v14, v58  }
0x7d: {  	[tilespmem:s13+$0x7930] =	vst v1  }
0x7e: {  	v2 =	vmul.f32 v2, v58;
	[tilespmem:s13+$0x7940] =	vst v61  }
0x7f: {  	v1 =	vmul.f32 v11, v58;
	[tilespmem:s13+$0x7920] =	vst v3;
	v3 =	vpop (erf)  }
0x80: {  	[tilespmem:s13+$0x7950] =	vst v2;
	v2 =	vmul.f32 v4, v3  }
0x81: {  	[tilespmem:s13+$0x7960] =	vst v1;
	v1 =	vmul.f32 v3, v18  }
0x82: {  	v62 =	vmul.f32 v3, v21;
	[tilespmem:s16+$0x7970] =	vst v2  }
0x83: {  	v63 =	vmul.f32 v16, v3;
	[tilespmem:s16+$0x7900] =	vst v1  }
0x84: {  	v2 =	vmul.f32 v3, v22;
	[tilespmem:s16+$0x7910] =	vst v62  }
0x85: {  	v1 =	vmul.f32 v23, v3;
	[tilespmem:s16+$0x7940] =	vst v63  }
0x86: {  	[tilespmem:s16+$0x7920] =	vst v2;
	v2 =	vmul.f32 v54, v3  }
0x87: {  	[tilespmem:s16+$0x7930] =	vst v1;
	v1 =	vmul.f32 v7, v3  }
0x88: {  	[tilespmem:s16+$0x7950] =	vst v2  }
0x89: {  	[tilespmem:s16+$0x7960] =	vst v1  }
.LBB2_11:
0x8a: {  	s12 =	sadd.s32 $0x1, s12  }
0x8b: {  	p2 =	sne.s32 s12, $0xFA  }
.Ltmp4:
0x8c: {  	_ = 	snop;
	(pc) =	sbr.rel @!p2 .LBB2_12-.Ltmp4, $4  }
0x8d: {  	[spmem:s4] =	stream.indirect.scatter.add.f32 [tilespmem:s1], [sflag:$0x4], $0x80, s25, s26, $0xb8;
	[tilespmem:$0x1D980] =	vst v63  }
0x8e: {  	_ =	swait.ge [sflag:s24], $0x2800  }
0x8f: {  	[sflag:s24] =	ssyncset.done $0x0  }
0x90: {  	[sflag:s24] =	ssyncadd.s32 $0xFFFFD800  }
.LBB2_4:
0x91: {  	s13 =	smul.u32 $0x50, s12;
	_ =	sdelay $0x1  }
0x92: {  	s13 =	sadd.s32 s10, s13  }
0x93: {  	s13 =	sshrl.u32 s13, $0x3  }
0x94: {  	s14 =	sadd.s32 s6, s13  }
0x95: {  	[tilespmem:s5], [sflag:$0x4] =	stream.linear.gather [hbm4b:s14+s5], $0x50, $0x38;
	[tilespmem:$0x1D980] =	vst v63  }
0x96: {  	_ =	swait.ge [sflag:s24], $0x50  }
0x97: {  	[sflag:s24] =	ssyncset.done $0x0  }
0x98: {  	s13 =	sadd.s32 s7, s13;
	[sflag:s24] =	ssyncadd.s32 $0xFFFFFFB0  }
0x99: {  	[tilespmem:s25], [sflag:$0x4] =	stream.linear.gather [hbm4b:s13+s5], $0x50, $0x38;
	[tilespmem:$0x1D980] =	vst v63  }
0x9a: {  	_ =	swait.ge [sflag:s24], $0x50  }
.Ltmp5:
0x9b: {  	[sflag:s24] =	ssyncset.done $0x0;
	(pc) =	sbr.rel @!p0 .LBB2_5-.Ltmp5, $4  }
0x9c: {  	[sflag:s24] =	ssyncadd.s32 $0xFFFFFFB0  }
0x9d: {  	[tilespmem:s28], [sflag:$0x1] =	stream.indirect.gather [hbm4b:s0+s26], $0x80, s5, s26, $0xb8;
	[tilespmem:$0x1D980] =	vst v63  }
0x9e: {  	_ = 	snop  }
0x9f: {  	[tilespmem:s29], [sflag:$0x2] =	stream.indirect.gather [hbm4b:s0+s26], $0x80, s25, s26, $0xb8;
	[tilespmem:$0x1D980] =	vst v63  }
0xa0: {  	_ =	swait.ge [sflag:s30], $0x2800  }
0xa1: {  	[sflag:s30] =	ssyncset.done $0x0  }
0xa2: {  	[sflag:s30] =	ssyncadd.s32 $0xFFFFD800  }
0xa3: {  	_ =	swait.ge [sflag:s31], $0x2800  }
0xa4: {  	[sflag:s31] =	ssyncset.done $0x0  }
0xa5: {  	s13 =	simm.s32 $0x0;
	[sflag:s31] =	ssyncadd.s32 $0xFFFFD800  }
0xa6: {  	v1 =	vld [tilespmem:s13+$0x100]  }
0xa7: {  	v2 =	vld [tilespmem:s13+$0x2910];
	_ =	sdelay $0x4  }
0xa8: {  	v1 =	vadd.f32 v2, v1;
	_ =	sdelay $0x1  }
0xa9: {  	s14 =	simm.s32 $0x80;
	v2 =	vmul.f32 $2.000000030e-01, v1  }
0xaa: {  	v3 =	vld [tilespmem:s14+$0x100]  }
0xab: {  	v4 =	vld [tilespmem:s14+$0x2910];
	v1 =	vmax.f32 v1, v2  }
0xac: {  	s16 =	simm.s32 $0x100;
	v1 =	vmul.f32 $1.442695020e+00, v1  }
0xad: {  	v2 =	vld [tilespmem:s16+$0x100]  }
0xae: {  	(erf) = vpow2.f32 v1;
	v1 =	vld [tilespmem:s16+$0x2910];
	_ =	sdelay $0x1  }
0xaf: {  	v3 =	vadd.f32 v4, v3;
	_ =	sdelay $0x1  }
0xb0: {  	v4 =	vmul.f32 $2.000000030e-01, v3  }
0xb1: {  	v5 =	vadd.f32 v1, v2  }
0xb2: {  	v1 =	vmax.f32 v3, v4  }
0xb3: {  	s15 =	simm.s32 $0x180;
	v2 =	vmul.f32 $1.442695020e+00, v1;
	v3 =	vmul.f32 $2.000000030e-01, v5  }
0xb4: {  	v1 =	vld [tilespmem:s15+$0x100]  }
0xb5: {  	(erf) = vpow2.f32 v2;
	v2 =	vld [tilespmem:s15+$0x2910];
	_ =	sdelay $0x1  }
0xb6: {  	s17 =	simm.s32 $0x800;
	v4 =	vmax.f32 v5, v3;
	v3 =	vpop (erf)  }
.LBB2_9:
0xb7: {  	s18 =	sshra.s32 s17, $0x2  }
0xb8: {  	v4 =	vmul.f32 $1.442695020e+00, v4;
	[tilespmem:s13+$0x7900] =	vst v3;
	s13 =	smov.u32 s14;
	s14 =	smov.u32 s16;
	p2 =	sne.s32 s17, $0x9E00  }
.Ltmp6:
0xb9: {  	s17 =	sadd.s32 $0x200, s17;
	v3 =	vadd.f32 v2, v1;
	v1 =	vld [tilespmem:s18+$0x100];
	(pc) =	sbr.rel @p2 .LBB2_9-.Ltmp6, $3  }
0xba: {  	s16 =	smov.u32 s15;
	s15 =	smov.u32 s18;
	v2 =	vld [tilespmem:s18+$0x2910];
	(erf) = vpow2.f32 v4  }
0xbb: {  	v4 =	vmul.f32 $2.000000030e-01, v3;
	_ =	sdelay $0x1  }
0xbc: {  	v4 =	vmax.f32 v3, v4;
	v3 =	vpop (erf)  }
0xbd: {  	_ = 	snop  }
0xbe: {  	v1 =	vadd.f32 v2, v1;
	_ =	sdelay $0x1  }
0xbf: {  	v2 =	vmul.f32 $2.000000030e-01, v1;
	_ =	sdelay $0x1  }
0xc0: {  	v4 =	vmul.f32 $1.442695020e+00, v4;
	v1 =	vmax.f32 v1, v2  }
0xc1: {  	v1 =	vmul.f32 $1.442695020e+00, v1  }
0xc2: {  	(erf) = vpow2.f32 v4  }
0xc3: {  	(erf) = vpow2.f32 v1;
	_ =	sdelay $0x5  }
.Ltmp7:
0xc4: {  	_ = 	snop;
	(pc) =	sbr.rel .LBB2_11-.Ltmp7, $4  }
0xc5: {  	[tilespmem:s13+$0x7900] =	vst v3;
	v1 =	vpop (erf)  }
0xc6: {  	[tilespmem:s14+$0x7900] =	vst v1;
	v1 =	vpop (erf)  }
0xc7: {  	[tilespmem:s16+$0x7900] =	vst v1;
	v1 =	vpop (erf)  }
0xc8: {  	[tilespmem:s15+$0x7900] =	vst v1  }
.LBB2_5:
0xc9: {  	s13 =	simm.s32 $0x0  }
0xca: {  	[tilespmem:s2], [sflag:$0x3] =	stream.indirect.gather [hbm4b:s3+s26], $0x80, s13, s26, $0xb8;
	[tilespmem:$0x1D980] =	vst v63  }
0xcb: {  	_ =	swait.ge [sflag:s30], $0x2800  }
0xcc: {  	[sflag:s30] =	ssyncset.done $0x0  }
0xcd: {  	[sflag:s30] =	ssyncadd.s32 $0xFFFFD800  }
0xce: {  	_ =	swait.ge [sflag:s31], $0x2800  }
0xcf: {  	[sflag:s31] =	ssyncset.done $0x0  }
0xd0: {  	[sflag:s31] =	ssyncadd.s32 $0xFFFFD800  }
0xd1: {  	_ =	swait.ge [sflag:s9], $0x2800  }
0xd2: {  	[sflag:s9] =	ssyncset.done $0x0  }
0xd3: {  	s15 =	simm.s32 $0x0;
	[sflag:s9] =	ssyncadd.s32 $0xFFFFD800  }
0xd4: {  	v1 =	vld [tilespmem:s15+$0x100]  }
0xd5: {  	v2 =	vld [tilespmem:s15+$0x2910];
	_ =	sdelay $0x4  }
0xd6: {  	v1 =	vadd.f32 v2, v1  }
0xd7: {  	v11 =	vld [tilespmem:s15+$0x5100]  }
0xd8: {  	v15 =	vld [tilespmem:s15+$0x5110];
	v2 =	vmul.f32 $2.000000030e-01, v1  }
0xd9: {  	s14 =	simm.s32 $0x80;
	v17 =	vld [tilespmem:s15+$0x5130]  }
0xda: {  	v21 =	vld [tilespmem:s14+$0x100];
	v1 =	vmax.f32 v1, v2  }
0xdb: {  	v9 =	vld [tilespmem:s14+$0x5100];
	v1 =	vmul.f32 $1.442695020e+00, v1  }
0xdc: {  	v8 =	vld [tilespmem:s14+$0x5110]  }
0xdd: {  	v7 =	vld [tilespmem:s14+$0x5120];
	(erf) = vpow2.f32 v1  }
0xde: {  	v4 =	vld [tilespmem:s14+$0x5130]  }
0xdf: {  	v6 =	vld [tilespmem:s14+$0x5140]  }
0xe0: {  	v5 =	vld [tilespmem:s14+$0x5150]  }
0xe1: {  	v3 =	vld [tilespmem:s14+$0x5160]  }
0xe2: {  	v1 =	vld [tilespmem:s15+$0x5170]  }
0xe3: {  	s13 =	simm.s32 $0x100;
	v2 =	vld [tilespmem:s14+$0x2910]  }
0xe4: {  	v22 =	vld [tilespmem:s13+$0x100]  }
0xe5: {  	v23 =	vld [tilespmem:s13+$0x2910]  }
0xe6: {  	v10 =	vld [tilespmem:s13+$0x5100];
	v24 =	vpop (erf)  }
0xe7: {  	v13 =	vld [tilespmem:s13+$0x5110];
	v14 =	vmul.f32 v1, v24  }
0xe8: {  	v12 =	vld [tilespmem:s13+$0x5120];
	v21 =	vadd.f32 v2, v21;
	v11 =	vmul.f32 v24, v11  }
0xe9: {  	v1 =	vld [tilespmem:s13+$0x5130];
	[tilespmem:s15+$0x7970] =	vst v14  }
0xea: {  	v14 =	vld [tilespmem:s13+$0x5140];
	[tilespmem:s15+$0x7900] =	vst v11;
	v11 =	vmul.f32 $2.000000030e-01, v21  }
0xeb: {  	v15 =	vmul.f32 v24, v15  }
0xec: {  	v16 =	vld [tilespmem:s15+$0x5120];
	v11 =	vmax.f32 v21, v11  }
0xed: {  	v2 =	vld [tilespmem:s13+$0x5150];
	[tilespmem:s15+$0x7910] =	vst v15;
	v15 =	vmul.f32 v17, v24;
	v17 =	vmul.f32 $1.442695020e+00, v11;
	_ =	sdelay $0x1  }
0xee: {  	v18 =	vld [tilespmem:s15+$0x5140];
	(erf) = vpow2.f32 v17  }
0xef: {  	v19 =	vld [tilespmem:s15+$0x5150]  }
0xf0: {  	v20 =	vld [tilespmem:s15+$0x5160]  }
0xf1: {  	v62 =	vadd.f32 v23, v22;
	v25 =	vmul.f32 v24, v16;
	_ =	sdelay $0x1  }
0xf2: {  	v23 =	vmul.f32 $2.000000030e-01, v62;
	v63 =	vmul.f32 v18, v24;
	v16 =	vld [tilespmem:s14+$0x5170];
	[tilespmem:s15+$0x7920] =	vst v25  }
0xf3: {  	s16 =	simm.s32 $0x180;
	v18 =	vmul.f32 v19, v24;
	v11 =	vld [tilespmem:s13+$0x5160];
	[tilespmem:s15+$0x7930] =	vst v15  }
0xf4: {  	s17 =	simm.s32 $0x800;
	v19 =	vmax.f32 v62, v23;
	v15 =	vld [tilespmem:s16+$0x100];
	[tilespmem:s15+$0x7940] =	vst v63;
	v17 =	vmul.f32 v20, v24  }
.LBB2_6:
0xf5: {  	p2 =	seq.s32 s17, $0x9E00;
	v20 =	vld [tilespmem:s16+$0x2910];
	v19 =	vmul.f32 $1.442695020e+00, v19;
	[tilespmem:s15+$0x7950] =	vst v18;
	v21 =	vmov v14  }
0xf6: {  	v22 =	vld [tilespmem:s16+$0x5100];
	v23 =	vpop (erf);
	[tilespmem:s15+$0x7960] =	vst v17;
	s15 =	smov.u32 s14;
	s14 =	smov.u32 s13;
	s13 =	smov.u32 s16  }
0xf7: {  	v24 =	vld [tilespmem:s13+$0x5110];
	(erf) = vpow2.f32 v19;
	v14 =	vmul.f32 v16, v23  }
0xf8: {  	v16 =	vmul.f32 v23, v9;
	v17 =	vmul.f32 v23, v8;
	v9 =	vmovc v10;
	v8 =	vmov v13;
	v19 =	vld [tilespmem:s13+$0x5120]  }
0xf9: {  	v27 =	vmul.f32 v23, v7;
	v25 =	vmul.f32 v4, v23;
	v7 =	vmovc v12;
	v4 =	vmov v1;
	[tilespmem:s15+$0x7970] =	vst v14;
	v1 =	vld [tilespmem:s13+$0x5130]  }
.Ltmp8:
0xfa: {  	v26 =	vmul.f32 v6, v23;
	v18 =	vmul.f32 v5, v23;
	v20 =	vadd.f32 v20, v15;
	v14 =	vld [tilespmem:s13+$0x5140];
	[tilespmem:s15+$0x7900] =	vst v16;
	(pc) =	sbr.rel @!p2 .LBB2_6-.Ltmp8, $4  }
0xfb: {  	v6 =	vmovc v21;
	v5 =	vmovc v2;
	[tilespmem:s15+$0x7910] =	vst v17;
	v17 =	vmul.f32 v3, v23;
	v10 =	vmov v22;
	v2 =	vld [tilespmem:s13+$0x5150];
	v3 =	vmov v11  }
0xfc: {  	v21 =	vmul.f32 $2.000000030e-01, v20;
	v16 =	vld [tilespmem:s14+$0x5170];
	[tilespmem:s15+$0x7920] =	vst v27;
	v13 =	vmov v24  }
0xfd: {  	s16 =	sshra.s32 s17, $0x2;
	v11 =	vld [tilespmem:s13+$0x5160];
	[tilespmem:s15+$0x7930] =	vst v25;
	v12 =	vmov v19  }
0xfe: {  	s17 =	sadd.s32 $0x200, s17;
	v15 =	vld [tilespmem:s16+$0x100];
	v19 =	vmax.f32 v20, v21;
	[tilespmem:s15+$0x7940] =	vst v26  }
.Ltmp9:
0xff: {  	_ = 	snop;
	(pc) =	sbr.rel .LBB2_7-.Ltmp9, $1  }
0x100: {  	_ =	sdelay $0x3  }
.LBB2_13:
0x101: {  	_ =	sfence.sel $0x180000  }
0x102: {  	[bflag:$0x0] =	sbarrier.arrive $0xFFFF  }
0x103: {  	_ =	strace $0x90000047  }
0x104: {  	s0 =	stileid.u32;
	[bflag:$0x2] =	sbarrier.arrive $0xFFFF  }
0x105: {  	p0 =	sne.s32 s0, $0x0;
	s0 =	rddreg [dreg:$0x4]  }
0x106: {  	s0 =	sadd.s32 @!p0 $0x100000, s0  }
0x107: {  	[sflag:s0] =	ssyncadd.tile.s32 @!p0 $0x1;
	_ =	shalt  }
.Lfunc_end2:
_tile_overlayer_lowered:
.L_overlay_start_2:
0x108: {  	(tag) =	ssettag $0x2  }
0x109: {  	s0 =	rddreg [dreg:$0x0];
	s2 =	stileid.u32  }
0x10a: {  	s1 =	rddreg [dreg:$0x1];
	p0 =	sne.s32 s2, $0x0  }
0x10b: {  	s3 =	rddreg [dreg:$0x2];
	[bflag:$0x3] =	sbarrier.arrive $0xFFFF;
	s2 =	simm.s32 @!p0 $0x1C04  }
0x10c: {  	[timem:s3], [sflag:s2] =	dma.local @!p0 [hbm:s0], s1  }
0x10d: {  	s0 =	simm.s32 @!p0 $0x4  }
0x10e: {  	_ =	swait.ge @!p0 [sflag:s0], s1  }
0x10f: {  	s1 =	ssub.s32 @!p0 $0x0, s1;
	[sflag:s0] =	ssyncset.done @!p0 $0x0  }
0x110: {  	[sflag:s0] =	ssyncadd.s32 @!p0 s1  }
0x111: {  	[bflag:$0x3] =	sbarrier.arrive $0xFFFF  }
0x112: {  	_ =	shalt  }

</sc_bundles>
